<compile_context>
chip_gen: v7x
topology: tpu7x:2x2x1
jax: 0.10.2.dev20260603
libtpu: 0.0.44.dev20260713+nightly
codegen_flags: <defaults>
</compile_context>

<pallas_src>
import functools

import jax
import jax.numpy as jnp
from jax import lax
from jax.experimental import pallas as pl
from jax.experimental.pallas import tpu as pltpu
from jax.experimental.pallas import tpu_sc as plsc

E = 320000
D = 128
S = 10000
SPAD = 10112

NC = 2
NS = 16
NW = NC * NS

BLK = 128
NBUF = 3
NB_LO = 78
NB_HI = 79

ROWS_PER_TILE = SPAD // NS
LANES = 16

_mesh = plsc.VectorSubcoreMesh(core_axis_name="c", subcore_axis_name="s")


@functools.partial(
    pl.kernel,
    mesh=_mesh,
    out_type=jax.ShapeDtypeStruct((NC, SPAD, D), jnp.float32),
    scratch_types=[
        pltpu.VMEM((NBUF, BLK, D), jnp.float32),
        pltpu.VMEM((BLK,), jnp.int32),
        pltpu.VMEM((BLK,), jnp.int32),
        pltpu.VMEM((BLK,), jnp.int32),
        pltpu.SemaphoreType.DMA,
        pltpu.SemaphoreType.DMA,
        pltpu.SemaphoreType.DMA,
        pltpu.VMEM_SHARED((SPAD, D), jnp.float32),
    ],
)
def _sc_segment_sum(x_hbm, idx_hbm, out_hbm, x_v,
                    i0, i1, i2, sem0, sem1, sem2, accum):
    c = lax.axis_index("c")
    s = lax.axis_index("s")
    wid = c * NS + s

    ib = [i0, i1, i2]
    sems = [sem0, sem1, sem2]

    base = jnp.where(wid < 4, wid * (NB_HI * BLK),
                     4 * (NB_HI * BLK) + (wid - 4) * (NB_LO * BLK))
    nb = jnp.where(wid < 4, NB_HI, NB_LO)

    zero16 = jnp.zeros((LANES,), jnp.float32)

    def zrow(r, carry):
        for k in range(D // LANES):
            x_v[0, r, pl.ds(k * LANES, LANES)] = zero16
        return carry

    lax.fori_loop(0, BLK, zrow, 0)

    row0 = pl.multiple_of(s * ROWS_PER_TILE, 8)
    for i in range(4):
        pltpu.sync_copy(
            x_v.at[0],
            accum.at[pl.ds(pl.multiple_of(row0 + i * BLK, 8), BLK)],
        )
    pltpu.sync_copy(
        x_v.at[0, pl.ds(0, ROWS_PER_TILE - 4 * BLK)],
        accum.at[pl.ds(pl.multiple_of(row0 + 4 * BLK, 8), ROWS_PER_TILE - 4 * BLK)],
    )

    def load_descs(g, b, with_idx=False):
        off = pl.multiple_of(base + g * BLK, 8)
        descs = [pltpu.make_async_copy(x_hbm.at[pl.ds(off, BLK)], x_v.at[b], sems[b])]
        if with_idx:
            descs.append(pltpu.make_async_copy(idx_hbm.at[pl.ds(off, BLK)], ib[b], sems[b]))
        return descs

    def start_load(g, b, with_idx=False):
        for d in load_descs(g, b, with_idx):
            d.start()

    def wait_load(g, b, with_idx=False):
        for d in load_descs(g, b, with_idx):
            d.wait()

    def scatter(b):
        pltpu.sync_copy(x_v.at[b], accum.at[ib[b]], add=True)

    for _k in range(NBUF):
        pltpu.sync_copy(idx_hbm.at[pl.ds(pl.multiple_of(base, 8), BLK)], ib[_k])
    start_load(0, 0)
    start_load(1, 1)
    plsc.subcore_barrier()

    def body(jo, carry):
        for b in range(NBUF):
            g = jo * NBUF + b

            @pl.when(g + 2 < nb)
            def _():
                start_load(g + 2, (b + 2) % NBUF)

            wait_load(g, b)
            scatter(b)
        return carry

    lax.fori_loop(0, NB_LO // NBUF, body, 0)

    @pl.when(nb == NB_HI)
    def _():
        wait_load(NB_LO, NB_LO % NBUF)
        scatter(NB_LO % NBUF)

    plsc.subcore_barrier()

    pltpu.sync_copy(
        accum.at[pl.ds(row0, ROWS_PER_TILE)],
        out_hbm.at[c].at[pl.ds(row0, ROWS_PER_TILE)],
    )


_RB = 1000


def _combine_body(p_ref, o_ref):
    o_ref[...] = p_ref[0] + p_ref[1]


def _combine(partials):
    return pl.pallas_call(
        _combine_body,
        grid=(S // _RB,),
        in_specs=[pl.BlockSpec((NC, _RB, D), lambda i: (0, i, 0))],
        out_specs=pl.BlockSpec((_RB, D), lambda i: (i, 0)),
        out_shape=jax.ShapeDtypeStruct((S, D), jnp.float32),
    )(partials)


def kernel(x, index):
    idx32 = index.astype(jnp.int32)
    partials = _sc_segment_sum(x, idx32)
    return _combine(partials)

# --- scband reference (transcript-rebuilt; emitter-appended) ---
"""Pipeline reference for scband-scatter-76940044140759 (READ-ONLY COPY).

The authoritative reference and input builder live on the scoring server;
editing this copy changes nothing except your own understanding.
"""

import jax, jax.numpy as jnp
import numpy as np

N_EDGES = 320000
D_FEAT = 128
N_NODES = 10000

def setup_inputs(seed: int = 0) -> dict:
    key = jax.random.key(seed)
    k1, k2 = jax.random.split(key)
    x = jax.random.normal(k1, (N_EDGES, D_FEAT), dtype=jnp.float32)
    index = jnp.sort(jax.random.randint(k2, (N_EDGES,), 0, N_NODES, dtype=jnp.int64))
    return {"x": x, "index": index}

def reference(x, index):
    # torch Scatter(reduce='sum') along dim=0: out[i] = sum of x rows whose index == i
    # scatter_sum with dim_size=None sizes output as index.max()+1; index values lie in [0, N_NODES)
    # so num_segments=N_NODES reproduces the same semantics for this input distribution.
    return jax.ops.segment_sum(x, index, num_segments=N_NODES)

if __name__ == "__main__":
    import jax
    _d = setup_inputs()
    print(jax.jit(kernel)(*tuple(_d.values())))

</pallas_src>

<mosaic_0001>
#map = affine_map<(d0, d1) -> (0, 0)>
#map1 = affine_map<(d0, d1) -> (0)>
#map2 = affine_map<(d0, d1) -> (0, 0, 0)>
module attributes {stable_mosaic.version = 14 : i64} {
  func.func @_sc_segment_sum(%arg0: i32, %arg1: i32, %arg2: memref<320000x128xf32, #tpu.memory_space<hbm>>, %arg3: memref<320000xi32, #tpu.memory_space<hbm>>, %arg4: memref<2x10112x128xf32, #tpu.memory_space<hbm>>, %arg5: memref<3x128x128xf32, #tpu.memory_space<vmem>>, %arg6: memref<128xi32, #tpu.memory_space<vmem>>, %arg7: memref<128xi32, #tpu.memory_space<vmem>>, %arg8: memref<128xi32, #tpu.memory_space<vmem>>, %arg9: memref<!tpu.dma_semaphore, #tpu.memory_space<semaphore_mem>>, %arg10: memref<!tpu.dma_semaphore, #tpu.memory_space<semaphore_mem>>, %arg11: memref<!tpu.dma_semaphore, #tpu.memory_space<semaphore_mem>>, %arg12: memref<10112x128xf32, #tpu.memory_space<vmem_shared>>) attributes {dimension_semantics = [#tpu.dimension_semantics<core_parallel>, #tpu.dimension_semantics<subcore_parallel>], iteration_bounds = array<i64: 2, 16>, scalar_prefetch = 0 : i64, scratch_operands = 8 : i64, tpu.core_type = #tpu.core_type<sc_vector_subcore>, window_params = [{transform_indices = #map}, {transform_indices = #map1}, {transform_indices = #map2}]} {
    %mul3A = arith.constant 16 : i32
    %mul3A_0 = arith.muli %arg0, %mul3A : i32
    %add3A = arith.addi %mul3A_0, %arg1 : i32
    %lt3A = arith.constant 4 : i32
    %lt3A_1 = arith.cmpi slt, %add3A, %lt3A : i32
    %mul3A_2 = arith.constant 10112 : i32
    %mul3A_3 = arith.muli %add3A, %mul3A_2 : i32
    %sub3A = arith.constant 4 : i32
    %sub3A_4 = arith.subi %add3A, %sub3A : i32
    %mul3A_5 = arith.constant 9984 : i32
    %mul3A_6 = arith.muli %sub3A_4, %mul3A_5 : i32
    %add3A_7 = arith.constant 40448 : i32
    %add3A_8 = arith.addi %add3A_7, %mul3A_6 : i32
    %select_n3A = arith.select %lt3A_1, %mul3A_3, %add3A_8 : i32
    %lt3A_9 = arith.constant 4 : i32
    %lt3A_10 = arith.cmpi slt, %add3A, %lt3A_9 : i32
    %jit3A = arith.constant 79 : i32
    %jit3A_11 = arith.constant 78 : i32
    %select_n3A_12 = arith.select %lt3A_10, %jit3A, %jit3A_11 : i32
    %broadcast_in_dim3A = arith.constant 0.000000e+00 : f32
    %broadcast_in_dim3A_13 = vector.broadcast %broadcast_in_dim3A : f32 to vector<16xf32>
    %scan3A = arith.constant 0 : i32
    %scan3A_14 = arith.constant 0 : i32
    %scan3A_15 = arith.constant 128 : i32
    %scan3A_16 = arith.addi %scan3A_14, %scan3A_15 : i32
    %scan3A_17 = arith.constant 1 : i32
    scf.for %scan3A_83 = %scan3A_14 to %scan3A_16 step %scan3A_17  : i32 {
      %swap3A = arith.constant 0 : i32
      %swap3A_84 = arith.index_cast %swap3A : i32 to index
      %swap3A_85 = arith.index_cast %scan3A_83 : i32 to index
      %swap3A_86 = arith.constant 0 : index
      %swap3A_87 = tpu.vector_load %arg5[%swap3A_84, %swap3A_85, %swap3A_86] {strides = array<i32>} : memref<3x128x128xf32, #tpu.memory_space<vmem>>, vector<1x1x16xf32>,
      %swap3A_88 = vector.shape_cast %swap3A_87 : vector<1x1x16xf32> to vector<16xf32>
      %swap3A_89 = vector.shape_cast %broadcast_in_dim3A_13 : vector<16xf32> to vector<1x1x16xf32>
      tpu.vector_store %arg5[%swap3A_84, %swap3A_85, %swap3A_86], %swap3A_89 {strides = array<i32>} : memref<3x128x128xf32, #tpu.memory_space<vmem>>, vector<1x1x16xf32>,
      %swap3A_90 = arith.constant 0 : i32
      %swap3A_91 = arith.index_cast %swap3A_90 : i32 to index
      %swap3A_92 = arith.index_cast %scan3A_83 : i32 to index
      %swap3A_93 = arith.constant 16 : index
      %swap3A_94 = tpu.vector_load %arg5[%swap3A_91, %swap3A_92, %swap3A_93] {strides = array<i32>} : memref<3x128x128xf32, #tpu.memory_space<vmem>>, vector<1x1x16xf32>,
      %swap3A_95 = vector.shape_cast %swap3A_94 : vector<1x1x16xf32> to vector<16xf32>
      %swap3A_96 = vector.shape_cast %broadcast_in_dim3A_13 : vector<16xf32> to vector<1x1x16xf32>
      tpu.vector_store %arg5[%swap3A_91, %swap3A_92, %swap3A_93], %swap3A_96 {strides = array<i32>} : memref<3x128x128xf32, #tpu.memory_space<vmem>>, vector<1x1x16xf32>,
      %swap3A_97 = arith.constant 0 : i32
      %swap3A_98 = arith.index_cast %swap3A_97 : i32 to index
      %swap3A_99 = arith.index_cast %scan3A_83 : i32 to index
      %swap3A_100 = arith.constant 32 : index
      %swap3A_101 = tpu.vector_load %arg5[%swap3A_98, %swap3A_99, %swap3A_100] {strides = array<i32>} : memref<3x128x128xf32, #tpu.memory_space<vmem>>, vector<1x1x16xf32>,
      %swap3A_102 = vector.shape_cast %swap3A_101 : vector<1x1x16xf32> to vector<16xf32>
      %swap3A_103 = vector.shape_cast %broadcast_in_dim3A_13 : vector<16xf32> to vector<1x1x16xf32>
      tpu.vector_store %arg5[%swap3A_98, %swap3A_99, %swap3A_100], %swap3A_103 {strides = array<i32>} : memref<3x128x128xf32, #tpu.memory_space<vmem>>, vector<1x1x16xf32>,
      %swap3A_104 = arith.constant 0 : i32
      %swap3A_105 = arith.index_cast %swap3A_104 : i32 to index
      %swap3A_106 = arith.index_cast %scan3A_83 : i32 to index
      %swap3A_107 = arith.constant 48 : index
      %swap3A_108 = tpu.vector_load %arg5[%swap3A_105, %swap3A_106, %swap3A_107] {strides = array<i32>} : memref<3x128x128xf32, #tpu.memory_space<vmem>>, vector<1x1x16xf32>,
      %swap3A_109 = vector.shape_cast %swap3A_108 : vector<1x1x16xf32> to vector<16xf32>
      %swap3A_110 = vector.shape_cast %broadcast_in_dim3A_13 : vector<16xf32> to vector<1x1x16xf32>
      tpu.vector_store %arg5[%swap3A_105, %swap3A_106, %swap3A_107], %swap3A_110 {strides = array<i32>} : memref<3x128x128xf32, #tpu.memory_space<vmem>>, vector<1x1x16xf32>,
      %swap3A_111 = arith.constant 0 : i32
      %swap3A_112 = arith.index_cast %swap3A_111 : i32 to index
      %swap3A_113 = arith.index_cast %scan3A_83 : i32 to index
      %swap3A_114 = arith.constant 64 : index
      %swap3A_115 = tpu.vector_load %arg5[%swap3A_112, %swap3A_113, %swap3A_114] {strides = array<i32>} : memref<3x128x128xf32, #tpu.memory_space<vmem>>, vector<1x1x16xf32>,
      %swap3A_116 = vector.shape_cast %swap3A_115 : vector<1x1x16xf32> to vector<16xf32>
      %swap3A_117 = vector.shape_cast %broadcast_in_dim3A_13 : vector<16xf32> to vector<1x1x16xf32>
      tpu.vector_store %arg5[%swap3A_112, %swap3A_113, %swap3A_114], %swap3A_117 {strides = array<i32>} : memref<3x128x128xf32, #tpu.memory_space<vmem>>, vector<1x1x16xf32>,
      %swap3A_118 = arith.constant 0 : i32
      %swap3A_119 = arith.index_cast %swap3A_118 : i32 to index
      %swap3A_120 = arith.index_cast %scan3A_83 : i32 to index
      %swap3A_121 = arith.constant 80 : index
      %swap3A_122 = tpu.vector_load %arg5[%swap3A_119, %swap3A_120, %swap3A_121] {strides = array<i32>} : memref<3x128x128xf32, #tpu.memory_space<vmem>>, vector<1x1x16xf32>,
      %swap3A_123 = vector.shape_cast %swap3A_122 : vector<1x1x16xf32> to vector<16xf32>
      %swap3A_124 = vector.shape_cast %broadcast_in_dim3A_13 : vector<16xf32> to vector<1x1x16xf32>
      tpu.vector_store %arg5[%swap3A_119, %swap3A_120, %swap3A_121], %swap3A_124 {strides = array<i32>} : memref<3x128x128xf32, #tpu.memory_space<vmem>>, vector<1x1x16xf32>,
      %swap3A_125 = arith.constant 0 : i32
      %swap3A_126 = arith.index_cast %swap3A_125 : i32 to index
      %swap3A_127 = arith.index_cast %scan3A_83 : i32 to index
      %swap3A_128 = arith.constant 96 : index
      %swap3A_129 = tpu.vector_load %arg5[%swap3A_126, %swap3A_127, %swap3A_128] {strides = array<i32>} : memref<3x128x128xf32, #tpu.memory_space<vmem>>, vector<1x1x16xf32>,
      %swap3A_130 = vector.shape_cast %swap3A_129 : vector<1x1x16xf32> to vector<16xf32>
      %swap3A_131 = vector.shape_cast %broadcast_in_dim3A_13 : vector<16xf32> to vector<1x1x16xf32>
      tpu.vector_store %arg5[%swap3A_126, %swap3A_127, %swap3A_128], %swap3A_131 {strides = array<i32>} : memref<3x128x128xf32, #tpu.memory_space<vmem>>, vector<1x1x16xf32>,
      %swap3A_132 = arith.constant 0 : i32
      %swap3A_133 = arith.index_cast %swap3A_132 : i32 to index
      %swap3A_134 = arith.index_cast %scan3A_83 : i32 to index
      %swap3A_135 = arith.constant 112 : index
      %swap3A_136 = tpu.vector_load %arg5[%swap3A_133, %swap3A_134, %swap3A_135] {strides = array<i32>} : memref<3x128x128xf32, #tpu.memory_space<vmem>>, vector<1x1x16xf32>,
      %swap3A_137 = vector.shape_cast %swap3A_136 : vector<1x1x16xf32> to vector<16xf32>
      %swap3A_138 = vector.shape_cast %broadcast_in_dim3A_13 : vector<16xf32> to vector<1x1x16xf32>
      tpu.vector_store %arg5[%swap3A_133, %swap3A_134, %swap3A_135], %swap3A_138 {strides = array<i32>} : memref<3x128x128xf32, #tpu.memory_space<vmem>>, vector<1x1x16xf32>,
    }
    %scan3A_18 = arith.constant 128 : i32
    %mul3A_19 = arith.constant 632 : i32
    %mul3A_20 = arith.muli %arg1, %mul3A_19 : i32
    %multiple_of3A = tpu.assume_multiple %mul3A_20, 8 : i32
    %add3A_21 = arith.constant 0 : i32
    %add3A_22 = arith.addi %multiple_of3A, %add3A_21 : i32
    %multiple_of3A_23 = tpu.assume_multiple %add3A_22, 8 : i32
    %run_scoped3A = arith.constant 0 : i32
    "tpu.region"() ({
      %run_scoped3A_83 = tpu.sem_alloc : memref<!tpu.dma_semaphore, #tpu.memory_space<semaphore_mem>>
      %dma_start3A_84 = arith.constant 0 : i32
      %dma_start3A_85 = arith.constant 0 : i32
      %dma_start3A_86 = tpu.memref_slice %arg5[%run_scoped3A, %dma_start3A_84, %dma_start3A_85] : memref<3x128x128xf32, #tpu.memory_space<vmem>> -> memref<1x128x128xf32, #tpu.memory_space<vmem>>
      %dma_start3A_87 = tpu.memref_squeeze %dma_start3A_86 : memref<1x128x128xf32, #tpu.memory_space<vmem>> -> memref<128x128xf32, #tpu.memory_space<vmem>>
      %dma_start3A_88 = arith.constant 0 : i32
      %dma_start3A_89 = tpu.memref_slice %arg12[%multiple_of3A_23, %dma_start3A_88] : memref<10112x128xf32, #tpu.memory_space<vmem_shared>> -> memref<128x128xf32, #tpu.memory_space<vmem_shared>>
      %dma_start3A_90 = arith.constant 0 : i32
      %dma_start3A_91 = tpu.memref_slice %arg12[%multiple_of3A_23, %dma_start3A_90] : memref<10112x128xf32, #tpu.memory_space<vmem_shared>> -> memref<128x128xf32, #tpu.memory_space<vmem_shared>>
      %dma_start3A_92 = arith.constant 0 : i32
      %dma_start3A_93 = arith.constant 0 : i32
      %dma_start3A_94 = tpu.memref_slice %arg5[%run_scoped3A, %dma_start3A_92, %dma_start3A_93] : memref<3x128x128xf32, #tpu.memory_space<vmem>> -> memref<1x128x128xf32, #tpu.memory_space<vmem>>
      %dma_start3A_95 = tpu.memref_squeeze %dma_start3A_94 : memref<1x128x128xf32, #tpu.memory_space<vmem>> -> memref<128x128xf32, #tpu.memory_space<vmem>>
      tpu.enqueue_dma source(%dma_start3A_95 : memref<128x128xf32, #tpu.memory_space<vmem>>) target(%dma_start3A_91 : memref<128x128xf32, #tpu.memory_space<vmem_shared>>) target_semaphore(%run_scoped3A_83 : memref<!tpu.dma_semaphore, #tpu.memory_space<semaphore_mem>>)
      %dma_wait3A = arith.constant 0 : i32
      %dma_wait3A_96 = arith.constant 0 : i32
      %dma_wait3A_97 = tpu.memref_slice %arg5[%run_scoped3A, %dma_wait3A, %dma_wait3A_96] : memref<3x128x128xf32, #tpu.memory_space<vmem>> -> memref<1x128x128xf32, #tpu.memory_space<vmem>>
      %dma_wait3A_98 = tpu.memref_squeeze %dma_wait3A_97 : memref<1x128x128xf32, #tpu.memory_space<vmem>> -> memref<128x128xf32, #tpu.memory_space<vmem>>
      %dma_wait3A_99 = arith.constant 0 : i32
      %dma_wait3A_100 = tpu.memref_slice %arg12[%multiple_of3A_23, %dma_wait3A_99] : memref<10112x128xf32, #tpu.memory_space<vmem_shared>> -> memref<128x128xf32, #tpu.memory_space<vmem_shared>>
      %dma_wait3A_101 = arith.constant 0 : i32
      %dma_wait3A_102 = tpu.memref_slice %arg12[%multiple_of3A_23, %dma_wait3A_101] : memref<10112x128xf32, #tpu.memory_space<vmem_shared>> -> memref<128x128xf32, #tpu.memory_space<vmem_shared>>
      %dma_wait3A_103 = arith.constant 0 : i32
      %dma_wait3A_104 = arith.constant 0 : i32
      %dma_wait3A_105 = tpu.memref_slice %arg5[%run_scoped3A, %dma_wait3A_103, %dma_wait3A_104] : memref<3x128x128xf32, #tpu.memory_space<vmem>> -> memref<1x128x128xf32, #tpu.memory_space<vmem>>
      %dma_wait3A_106 = tpu.memref_squeeze %dma_wait3A_105 : memref<1x128x128xf32, #tpu.memory_space<vmem>> -> memref<128x128xf32, #tpu.memory_space<vmem>>
      tpu.wait_dma2 semaphore(%run_scoped3A_83 : memref<!tpu.dma_semaphore, #tpu.memory_space<semaphore_mem>>) src(%dma_wait3A_106 : memref<128x128xf32, #tpu.memory_space<vmem>>) dst(%dma_wait3A_102 : memref<128x128xf32, #tpu.memory_space<vmem_shared>>)
      tpu.yield
    }) : () -> ()
    %add3A_24 = arith.constant 128 : i32
    %add3A_25 = arith.addi %multiple_of3A, %add3A_24 : i32
    %multiple_of3A_26 = tpu.assume_multiple %add3A_25, 8 : i32
    %run_scoped3A_27 = arith.constant 0 : i32
    "tpu.region"() ({
      %run_scoped3A_83 = tpu.sem_alloc : memref<!tpu.dma_semaphore, #tpu.memory_space<semaphore_mem>>
      %dma_start3A_84 = arith.constant 0 : i32
      %dma_start3A_85 = arith.constant 0 : i32
      %dma_start3A_86 = tpu.memref_slice %arg5[%run_scoped3A_27, %dma_start3A_84, %dma_start3A_85] : memref<3x128x128xf32, #tpu.memory_space<vmem>> -> memref<1x128x128xf32, #tpu.memory_space<vmem>>
      %dma_start3A_87 = tpu.memref_squeeze %dma_start3A_86 : memref<1x128x128xf32, #tpu.memory_space<vmem>> -> memref<128x128xf32, #tpu.memory_space<vmem>>
      %dma_start3A_88 = arith.constant 0 : i32
      %dma_start3A_89 = tpu.memref_slice %arg12[%multiple_of3A_26, %dma_start3A_88] : memref<10112x128xf32, #tpu.memory_space<vmem_shared>> -> memref<128x128xf32, #tpu.memory_space<vmem_shared>>
      %dma_start3A_90 = arith.constant 0 : i32
      %dma_start3A_91 = tpu.memref_slice %arg12[%multiple_of3A_26, %dma_start3A_90] : memref<10112x128xf32, #tpu.memory_space<vmem_shared>> -> memref<128x128xf32, #tpu.memory_space<vmem_shared>>
      %dma_start3A_92 = arith.constant 0 : i32
      %dma_start3A_93 = arith.constant 0 : i32
      %dma_start3A_94 = tpu.memref_slice %arg5[%run_scoped3A_27, %dma_start3A_92, %dma_start3A_93] : memref<3x128x128xf32, #tpu.memory_space<vmem>> -> memref<1x128x128xf32, #tpu.memory_space<vmem>>
      %dma_start3A_95 = tpu.memref_squeeze %dma_start3A_94 : memref<1x128x128xf32, #tpu.memory_space<vmem>> -> memref<128x128xf32, #tpu.memory_space<vmem>>
      tpu.enqueue_dma source(%dma_start3A_95 : memref<128x128xf32, #tpu.memory_space<vmem>>) target(%dma_start3A_91 : memref<128x128xf32, #tpu.memory_space<vmem_shared>>) target_semaphore(%run_scoped3A_83 : memref<!tpu.dma_semaphore, #tpu.memory_space<semaphore_mem>>)
      %dma_wait3A = arith.constant 0 : i32
      %dma_wait3A_96 = arith.constant 0 : i32
      %dma_wait3A_97 = tpu.memref_slice %arg5[%run_scoped3A_27, %dma_wait3A, %dma_wait3A_96] : memref<3x128x128xf32, #tpu.memory_space<vmem>> -> memref<1x128x128xf32, #tpu.memory_space<vmem>>
      %dma_wait3A_98 = tpu.memref_squeeze %dma_wait3A_97 : memref<1x128x128xf32, #tpu.memory_space<vmem>> -> memref<128x128xf32, #tpu.memory_space<vmem>>
      %dma_wait3A_99 = arith.constant 0 : i32
      %dma_wait3A_100 = tpu.memref_slice %arg12[%multiple_of3A_26, %dma_wait3A_99] : memref<10112x128xf32, #tpu.memory_space<vmem_shared>> -> memref<128x128xf32, #tpu.memory_space<vmem_shared>>
      %dma_wait3A_101 = arith.constant 0 : i32
      %dma_wait3A_102 = tpu.memref_slice %arg12[%multiple_of3A_26, %dma_wait3A_101] : memref<10112x128xf32, #tpu.memory_space<vmem_shared>> -> memref<128x128xf32, #tpu.memory_space<vmem_shared>>
      %dma_wait3A_103 = arith.constant 0 : i32
      %dma_wait3A_104 = arith.constant 0 : i32
      %dma_wait3A_105 = tpu.memref_slice %arg5[%run_scoped3A_27, %dma_wait3A_103, %dma_wait3A_104] : memref<3x128x128xf32, #tpu.memory_space<vmem>> -> memref<1x128x128xf32, #tpu.memory_space<vmem>>
      %dma_wait3A_106 = tpu.memref_squeeze %dma_wait3A_105 : memref<1x128x128xf32, #tpu.memory_space<vmem>> -> memref<128x128xf32, #tpu.memory_space<vmem>>
      tpu.wait_dma2 semaphore(%run_scoped3A_83 : memref<!tpu.dma_semaphore, #tpu.memory_space<semaphore_mem>>) src(%dma_wait3A_106 : memref<128x128xf32, #tpu.memory_space<vmem>>) dst(%dma_wait3A_102 : memref<128x128xf32, #tpu.memory_space<vmem_shared>>)
      tpu.yield
    }) : () -> ()
    %add3A_28 = arith.constant 256 : i32
    %add3A_29 = arith.addi %multiple_of3A, %add3A_28 : i32
    %multiple_of3A_30 = tpu.assume_multiple %add3A_29, 8 : i32
    %run_scoped3A_31 = arith.constant 0 : i32
    "tpu.region"() ({
      %run_scoped3A_83 = tpu.sem_alloc : memref<!tpu.dma_semaphore, #tpu.memory_space<semaphore_mem>>
      %dma_start3A_84 = arith.constant 0 : i32
      %dma_start3A_85 = arith.constant 0 : i32
      %dma_start3A_86 = tpu.memref_slice %arg5[%run_scoped3A_31, %dma_start3A_84, %dma_start3A_85] : memref<3x128x128xf32, #tpu.memory_space<vmem>> -> memref<1x128x128xf32, #tpu.memory_space<vmem>>
      %dma_start3A_87 = tpu.memref_squeeze %dma_start3A_86 : memref<1x128x128xf32, #tpu.memory_space<vmem>> -> memref<128x128xf32, #tpu.memory_space<vmem>>
      %dma_start3A_88 = arith.constant 0 : i32
      %dma_start3A_89 = tpu.memref_slice %arg12[%multiple_of3A_30, %dma_start3A_88] : memref<10112x128xf32, #tpu.memory_space<vmem_shared>> -> memref<128x128xf32, #tpu.memory_space<vmem_shared>>
      %dma_start3A_90 = arith.constant 0 : i32
      %dma_start3A_91 = tpu.memref_slice %arg12[%multiple_of3A_30, %dma_start3A_90] : memref<10112x128xf32, #tpu.memory_space<vmem_shared>> -> memref<128x128xf32, #tpu.memory_space<vmem_shared>>
      %dma_start3A_92 = arith.constant 0 : i32
      %dma_start3A_93 = arith.constant 0 : i32
      %dma_start3A_94 = tpu.memref_slice %arg5[%run_scoped3A_31, %dma_start3A_92, %dma_start3A_93] : memref<3x128x128xf32, #tpu.memory_space<vmem>> -> memref<1x128x128xf32, #tpu.memory_space<vmem>>
      %dma_start3A_95 = tpu.memref_squeeze %dma_start3A_94 : memref<1x128x128xf32, #tpu.memory_space<vmem>> -> memref<128x128xf32, #tpu.memory_space<vmem>>
      tpu.enqueue_dma source(%dma_start3A_95 : memref<128x128xf32, #tpu.memory_space<vmem>>) target(%dma_start3A_91 : memref<128x128xf32, #tpu.memory_space<vmem_shared>>) target_semaphore(%run_scoped3A_83 : memref<!tpu.dma_semaphore, #tpu.memory_space<semaphore_mem>>)
      %dma_wait3A = arith.constant 0 : i32
      %dma_wait3A_96 = arith.constant 0 : i32
      %dma_wait3A_97 = tpu.memref_slice %arg5[%run_scoped3A_31, %dma_wait3A, %dma_wait3A_96] : memref<3x128x128xf32, #tpu.memory_space<vmem>> -> memref<1x128x128xf32, #tpu.memory_space<vmem>>
      %dma_wait3A_98 = tpu.memref_squeeze %dma_wait3A_97 : memref<1x128x128xf32, #tpu.memory_space<vmem>> -> memref<128x128xf32, #tpu.memory_space<vmem>>
      %dma_wait3A_99 = arith.constant 0 : i32
      %dma_wait3A_100 = tpu.memref_slice %arg12[%multiple_of3A_30, %dma_wait3A_99] : memref<10112x128xf32, #tpu.memory_space<vmem_shared>> -> memref<128x128xf32, #tpu.memory_space<vmem_shared>>
      %dma_wait3A_101 = arith.constant 0 : i32
      %dma_wait3A_102 = tpu.memref_slice %arg12[%multiple_of3A_30, %dma_wait3A_101] : memref<10112x128xf32, #tpu.memory_space<vmem_shared>> -> memref<128x128xf32, #tpu.memory_space<vmem_shared>>
      %dma_wait3A_103 = arith.constant 0 : i32
      %dma_wait3A_104 = arith.constant 0 : i32
      %dma_wait3A_105 = tpu.memref_slice %arg5[%run_scoped3A_31, %dma_wait3A_103, %dma_wait3A_104] : memref<3x128x128xf32, #tpu.memory_space<vmem>> -> memref<1x128x128xf32, #tpu.memory_space<vmem>>
      %dma_wait3A_106 = tpu.memref_squeeze %dma_wait3A_105 : memref<1x128x128xf32, #tpu.memory_space<vmem>> -> memref<128x128xf32, #tpu.memory_space<vmem>>
      tpu.wait_dma2 semaphore(%run_scoped3A_83 : memref<!tpu.dma_semaphore, #tpu.memory_space<semaphore_mem>>) src(%dma_wait3A_106 : memref<128x128xf32, #tpu.memory_space<vmem>>) dst(%dma_wait3A_102 : memref<128x128xf32, #tpu.memory_space<vmem_shared>>)
      tpu.yield
    }) : () -> ()
    %add3A_32 = arith.constant 384 : i32
    %add3A_33 = arith.addi %multiple_of3A, %add3A_32 : i32
    %multiple_of3A_34 = tpu.assume_multiple %add3A_33, 8 : i32
    %run_scoped3A_35 = arith.constant 0 : i32
    "tpu.region"() ({
      %run_scoped3A_83 = tpu.sem_alloc : memref<!tpu.dma_semaphore, #tpu.memory_space<semaphore_mem>>
      %dma_start3A_84 = arith.constant 0 : i32
      %dma_start3A_85 = arith.constant 0 : i32
      %dma_start3A_86 = tpu.memref_slice %arg5[%run_scoped3A_35, %dma_start3A_84, %dma_start3A_85] : memref<3x128x128xf32, #tpu.memory_space<vmem>> -> memref<1x128x128xf32, #tpu.memory_space<vmem>>
      %dma_start3A_87 = tpu.memref_squeeze %dma_start3A_86 : memref<1x128x128xf32, #tpu.memory_space<vmem>> -> memref<128x128xf32, #tpu.memory_space<vmem>>
      %dma_start3A_88 = arith.constant 0 : i32
      %dma_start3A_89 = tpu.memref_slice %arg12[%multiple_of3A_34, %dma_start3A_88] : memref<10112x128xf32, #tpu.memory_space<vmem_shared>> -> memref<128x128xf32, #tpu.memory_space<vmem_shared>>
      %dma_start3A_90 = arith.constant 0 : i32
      %dma_start3A_91 = tpu.memref_slice %arg12[%multiple_of3A_34, %dma_start3A_90] : memref<10112x128xf32, #tpu.memory_space<vmem_shared>> -> memref<128x128xf32, #tpu.memory_space<vmem_shared>>
      %dma_start3A_92 = arith.constant 0 : i32
      %dma_start3A_93 = arith.constant 0 : i32
      %dma_start3A_94 = tpu.memref_slice %arg5[%run_scoped3A_35, %dma_start3A_92, %dma_start3A_93] : memref<3x128x128xf32, #tpu.memory_space<vmem>> -> memref<1x128x128xf32, #tpu.memory_space<vmem>>
      %dma_start3A_95 = tpu.memref_squeeze %dma_start3A_94 : memref<1x128x128xf32, #tpu.memory_space<vmem>> -> memref<128x128xf32, #tpu.memory_space<vmem>>
      tpu.enqueue_dma source(%dma_start3A_95 : memref<128x128xf32, #tpu.memory_space<vmem>>) target(%dma_start3A_91 : memref<128x128xf32, #tpu.memory_space<vmem_shared>>) target_semaphore(%run_scoped3A_83 : memref<!tpu.dma_semaphore, #tpu.memory_space<semaphore_mem>>)
      %dma_wait3A = arith.constant 0 : i32
      %dma_wait3A_96 = arith.constant 0 : i32
      %dma_wait3A_97 = tpu.memref_slice %arg5[%run_scoped3A_35, %dma_wait3A, %dma_wait3A_96] : memref<3x128x128xf32, #tpu.memory_space<vmem>> -> memref<1x128x128xf32, #tpu.memory_space<vmem>>
      %dma_wait3A_98 = tpu.memref_squeeze %dma_wait3A_97 : memref<1x128x128xf32, #tpu.memory_space<vmem>> -> memref<128x128xf32, #tpu.memory_space<vmem>>
      %dma_wait3A_99 = arith.constant 0 : i32
      %dma_wait3A_100 = tpu.memref_slice %arg12[%multiple_of3A_34, %dma_wait3A_99] : memref<10112x128xf32, #tpu.memory_space<vmem_shared>> -> memref<128x128xf32, #tpu.memory_space<vmem_shared>>
      %dma_wait3A_101 = arith.constant 0 : i32
      %dma_wait3A_102 = tpu.memref_slice %arg12[%multiple_of3A_34, %dma_wait3A_101] : memref<10112x128xf32, #tpu.memory_space<vmem_shared>> -> memref<128x128xf32, #tpu.memory_space<vmem_shared>>
      %dma_wait3A_103 = arith.constant 0 : i32
      %dma_wait3A_104 = arith.constant 0 : i32
      %dma_wait3A_105 = tpu.memref_slice %arg5[%run_scoped3A_35, %dma_wait3A_103, %dma_wait3A_104] : memref<3x128x128xf32, #tpu.memory_space<vmem>> -> memref<1x128x128xf32, #tpu.memory_space<vmem>>
      %dma_wait3A_106 = tpu.memref_squeeze %dma_wait3A_105 : memref<1x128x128xf32, #tpu.memory_space<vmem>> -> memref<128x128xf32, #tpu.memory_space<vmem>>
      tpu.wait_dma2 semaphore(%run_scoped3A_83 : memref<!tpu.dma_semaphore, #tpu.memory_space<semaphore_mem>>) src(%dma_wait3A_106 : memref<128x128xf32, #tpu.memory_space<vmem>>) dst(%dma_wait3A_102 : memref<128x128xf32, #tpu.memory_space<vmem_shared>>)
      tpu.yield
    }) : () -> ()
    %add3A_36 = arith.constant 512 : i32
    %add3A_37 = arith.addi %multiple_of3A, %add3A_36 : i32
    %multiple_of3A_38 = tpu.assume_multiple %add3A_37, 8 : i32
    %run_scoped3A_39 = arith.constant 0 : i32
    "tpu.region"() ({
      %run_scoped3A_83 = tpu.sem_alloc : memref<!tpu.dma_semaphore, #tpu.memory_space<semaphore_mem>>
      %dma_start3A_84 = arith.constant 0 : i32
      %dma_start3A_85 = arith.constant 0 : i32
      %dma_start3A_86 = tpu.memref_slice %arg5[%run_scoped3A_39, %dma_start3A_84, %dma_start3A_85] : memref<3x128x128xf32, #tpu.memory_space<vmem>> -> memref<1x120x128xf32, #tpu.memory_space<vmem>>
      %dma_start3A_87 = tpu.memref_squeeze %dma_start3A_86 : memref<1x120x128xf32, #tpu.memory_space<vmem>> -> memref<120x128xf32, #tpu.memory_space<vmem>>
      %dma_start3A_88 = arith.constant 0 : i32
      %dma_start3A_89 = tpu.memref_slice %arg12[%multiple_of3A_38, %dma_start3A_88] : memref<10112x128xf32, #tpu.memory_space<vmem_shared>> -> memref<120x128xf32, #tpu.memory_space<vmem_shared>>
      %dma_start3A_90 = arith.constant 0 : i32
      %dma_start3A_91 = tpu.memref_slice %arg12[%multiple_of3A_38, %dma_start3A_90] : memref<10112x128xf32, #tpu.memory_space<vmem_shared>> -> memref<120x128xf32, #tpu.memory_space<vmem_shared>>
      %dma_start3A_92 = arith.constant 0 : i32
      %dma_start3A_93 = arith.constant 0 : i32
      %dma_start3A_94 = tpu.memref_slice %arg5[%run_scoped3A_39, %dma_start3A_92, %dma_start3A_93] : memref<3x128x128xf32, #tpu.memory_space<vmem>> -> memref<1x120x128xf32, #tpu.memory_space<vmem>>
      %dma_start3A_95 = tpu.memref_squeeze %dma_start3A_94 : memref<1x120x128xf32, #tpu.memory_space<vmem>> -> memref<120x128xf32, #tpu.memory_space<vmem>>
      tpu.enqueue_dma source(%dma_start3A_95 : memref<120x128xf32, #tpu.memory_space<vmem>>) target(%dma_start3A_91 : memref<120x128xf32, #tpu.memory_space<vmem_shared>>) target_semaphore(%run_scoped3A_83 : memref<!tpu.dma_semaphore, #tpu.memory_space<semaphore_mem>>)
      %dma_wait3A = arith.constant 0 : i32
      %dma_wait3A_96 = arith.constant 0 : i32
      %dma_wait3A_97 = tpu.memref_slice %arg5[%run_scoped3A_39, %dma_wait3A, %dma_wait3A_96] : memref<3x128x128xf32, #tpu.memory_space<vmem>> -> memref<1x120x128xf32, #tpu.memory_space<vmem>>
      %dma_wait3A_98 = tpu.memref_squeeze %dma_wait3A_97 : memref<1x120x128xf32, #tpu.memory_space<vmem>> -> memref<120x128xf32, #tpu.memory_space<vmem>>
      %dma_wait3A_99 = arith.constant 0 : i32
      %dma_wait3A_100 = tpu.memref_slice %arg12[%multiple_of3A_38, %dma_wait3A_99] : memref<10112x128xf32, #tpu.memory_space<vmem_shared>> -> memref<120x128xf32, #tpu.memory_space<vmem_shared>>
      %dma_wait3A_101 = arith.constant 0 : i32
      %dma_wait3A_102 = tpu.memref_slice %arg12[%multiple_of3A_38, %dma_wait3A_101] : memref<10112x128xf32, #tpu.memory_space<vmem_shared>> -> memref<120x128xf32, #tpu.memory_space<vmem_shared>>
      %dma_wait3A_103 = arith.constant 0 : i32
      %dma_wait3A_104 = arith.constant 0 : i32
      %dma_wait3A_105 = tpu.memref_slice %arg5[%run_scoped3A_39, %dma_wait3A_103, %dma_wait3A_104] : memref<3x128x128xf32, #tpu.memory_space<vmem>> -> memref<1x120x128xf32, #tpu.memory_space<vmem>>
      %dma_wait3A_106 = tpu.memref_squeeze %dma_wait3A_105 : memref<1x120x128xf32, #tpu.memory_space<vmem>> -> memref<120x128xf32, #tpu.memory_space<vmem>>
      tpu.wait_dma2 semaphore(%run_scoped3A_83 : memref<!tpu.dma_semaphore, #tpu.memory_space<semaphore_mem>>) src(%dma_wait3A_106 : memref<120x128xf32, #tpu.memory_space<vmem>>) dst(%dma_wait3A_102 : memref<120x128xf32, #tpu.memory_space<vmem_shared>>)
      tpu.yield
    }) : () -> ()
    %multiple_of3A_40 = tpu.assume_multiple %select_n3A, 8 : i32
    "tpu.region"() ({
      %run_scoped3A_83 = tpu.sem_alloc : memref<!tpu.dma_semaphore, #tpu.memory_space<semaphore_mem>>
      %dma_start3A_84 = tpu.memref_slice %arg3[%multiple_of3A_40] : memref<320000xi32, #tpu.memory_space<hbm>> -> memref<128xi32, #tpu.memory_space<hbm>>
      %dma_start3A_85 = tpu.memref_slice %arg3[%multiple_of3A_40] : memref<320000xi32, #tpu.memory_space<hbm>> -> memref<128xi32, #tpu.memory_space<hbm>>
      tpu.enqueue_dma source(%dma_start3A_85 : memref<128xi32, #tpu.memory_space<hbm>>) target(%arg6 : memref<128xi32, #tpu.memory_space<vmem>>) target_semaphore(%run_scoped3A_83 : memref<!tpu.dma_semaphore, #tpu.memory_space<semaphore_mem>>)
      %dma_wait3A = tpu.memref_slice %arg3[%multiple_of3A_40] : memref<320000xi32, #tpu.memory_space<hbm>> -> memref<128xi32, #tpu.memory_space<hbm>>
      %dma_wait3A_86 = tpu.memref_slice %arg3[%multiple_of3A_40] : memref<320000xi32, #tpu.memory_space<hbm>> -> memref<128xi32, #tpu.memory_space<hbm>>
      tpu.wait_dma2 semaphore(%run_scoped3A_83 : memref<!tpu.dma_semaphore, #tpu.memory_space<semaphore_mem>>) src(%dma_wait3A_86 : memref<128xi32, #tpu.memory_space<hbm>>) dst(%arg6 : memref<128xi32, #tpu.memory_space<vmem>>)
      tpu.yield
    }) : () -> ()
    %multiple_of3A_41 = tpu.assume_multiple %select_n3A, 8 : i32
    "tpu.region"() ({
      %run_scoped3A_83 = tpu.sem_alloc : memref<!tpu.dma_semaphore, #tpu.memory_space<semaphore_mem>>
      %dma_start3A_84 = tpu.memref_slice %arg3[%multiple_of3A_41] : memref<320000xi32, #tpu.memory_space<hbm>> -> memref<128xi32, #tpu.memory_space<hbm>>
      %dma_start3A_85 = tpu.memref_slice %arg3[%multiple_of3A_41] : memref<320000xi32, #tpu.memory_space<hbm>> -> memref<128xi32, #tpu.memory_space<hbm>>
      tpu.enqueue_dma source(%dma_start3A_85 : memref<128xi32, #tpu.memory_space<hbm>>) target(%arg7 : memref<128xi32, #tpu.memory_space<vmem>>) target_semaphore(%run_scoped3A_83 : memref<!tpu.dma_semaphore, #tpu.memory_space<semaphore_mem>>)
      %dma_wait3A = tpu.memref_slice %arg3[%multiple_of3A_41] : memref<320000xi32, #tpu.memory_space<hbm>> -> memref<128xi32, #tpu.memory_space<hbm>>
      %dma_wait3A_86 = tpu.memref_slice %arg3[%multiple_of3A_41] : memref<320000xi32, #tpu.memory_space<hbm>> -> memref<128xi32, #tpu.memory_space<hbm>>
      tpu.wait_dma2 semaphore(%run_scoped3A_83 : memref<!tpu.dma_semaphore, #tpu.memory_space<semaphore_mem>>) src(%dma_wait3A_86 : memref<128xi32, #tpu.memory_space<hbm>>) dst(%arg7 : memref<128xi32, #tpu.memory_space<vmem>>)
      tpu.yield
    }) : () -> ()
    %multiple_of3A_42 = tpu.assume_multiple %select_n3A, 8 : i32
    "tpu.region"() ({
      %run_scoped3A_83 = tpu.sem_alloc : memref<!tpu.dma_semaphore, #tpu.memory_space<semaphore_mem>>
      %dma_start3A_84 = tpu.memref_slice %arg3[%multiple_of3A_42] : memref<320000xi32, #tpu.memory_space<hbm>> -> memref<128xi32, #tpu.memory_space<hbm>>
      %dma_start3A_85 = tpu.memref_slice %arg3[%multiple_of3A_42] : memref<320000xi32, #tpu.memory_space<hbm>> -> memref<128xi32, #tpu.memory_space<hbm>>
      tpu.enqueue_dma source(%dma_start3A_85 : memref<128xi32, #tpu.memory_space<hbm>>) target(%arg8 : memref<128xi32, #tpu.memory_space<vmem>>) target_semaphore(%run_scoped3A_83 : memref<!tpu.dma_semaphore, #tpu.memory_space<semaphore_mem>>)
      %dma_wait3A = tpu.memref_slice %arg3[%multiple_of3A_42] : memref<320000xi32, #tpu.memory_space<hbm>> -> memref<128xi32, #tpu.memory_space<hbm>>
      %dma_wait3A_86 = tpu.memref_slice %arg3[%multiple_of3A_42] : memref<320000xi32, #tpu.memory_space<hbm>> -> memref<128xi32, #tpu.memory_space<hbm>>
      tpu.wait_dma2 semaphore(%run_scoped3A_83 : memref<!tpu.dma_semaphore, #tpu.memory_space<semaphore_mem>>) src(%dma_wait3A_86 : memref<128xi32, #tpu.memory_space<hbm>>) dst(%arg8 : memref<128xi32, #tpu.memory_space<vmem>>)
      tpu.yield
    }) : () -> ()
    %add3A_43 = arith.constant 0 : i32
    %add3A_44 = arith.addi %select_n3A, %add3A_43 : i32
    %multiple_of3A_45 = tpu.assume_multiple %add3A_44, 8 : i32
    %dma_start3A = arith.constant 0 : i32
    %dma_start3A_46 = arith.constant 0 : i32
    %dma_start3A_47 = arith.constant 0 : i32
    %dma_start3A_48 = tpu.memref_slice %arg5[%dma_start3A, %dma_start3A_46, %dma_start3A_47] : memref<3x128x128xf32, #tpu.memory_space<vmem>> -> memref<1x128x128xf32, #tpu.memory_space<vmem>>
    %dma_start3A_49 = tpu.memref_squeeze %dma_start3A_48 : memref<1x128x128xf32, #tpu.memory_space<vmem>> -> memref<128x128xf32, #tpu.memory_space<vmem>>
    %dma_start3A_50 = arith.constant 0 : i32
    %dma_start3A_51 = tpu.memref_slice %arg2[%multiple_of3A_45, %dma_start3A_50] : memref<320000x128xf32, #tpu.memory_space<hbm>> -> memref<128x128xf32, #tpu.memory_space<hbm>>
    %dma_start3A_52 = arith.constant 0 : i32
    %dma_start3A_53 = arith.constant 0 : i32
    %dma_start3A_54 = tpu.memref_slice %arg5[%dma_start3A, %dma_start3A_52, %dma_start3A_53] : memref<3x128x128xf32, #tpu.memory_space<vmem>> -> memref<1x128x128xf32, #tpu.memory_space<vmem>>
    %dma_start3A_55 = tpu.memref_squeeze %dma_start3A_54 : memref<1x128x128xf32, #tpu.memory_space<vmem>> -> memref<128x128xf32, #tpu.memory_space<vmem>>
    %dma_start3A_56 = arith.constant 0 : i32
    %dma_start3A_57 = tpu.memref_slice %arg2[%multiple_of3A_45, %dma_start3A_56] : memref<320000x128xf32, #tpu.memory_space<hbm>> -> memref<128x128xf32, #tpu.memory_space<hbm>>
    tpu.enqueue_dma source(%dma_start3A_57 : memref<128x128xf32, #tpu.memory_space<hbm>>) target(%dma_start3A_55 : memref<128x128xf32, #tpu.memory_space<vmem>>) target_semaphore(%arg9 : memref<!tpu.dma_semaphore, #tpu.memory_space<semaphore_mem>>)
    %add3A_58 = arith.constant 128 : i32
    %add3A_59 = arith.addi %select_n3A, %add3A_58 : i32
    %multiple_of3A_60 = tpu.assume_multiple %add3A_59, 8 : i32
    %dma_start3A_61 = arith.constant 1 : i32
    %dma_start3A_62 = arith.constant 0 : i32
    %dma_start3A_63 = arith.constant 0 : i32
    %dma_start3A_64 = tpu.memref_slice %arg5[%dma_start3A_61, %dma_start3A_62, %dma_start3A_63] : memref<3x128x128xf32, #tpu.memory_space<vmem>> -> memref<1x128x128xf32, #tpu.memory_space<vmem>>
    %dma_start3A_65 = tpu.memref_squeeze %dma_start3A_64 : memref<1x128x128xf32, #tpu.memory_space<vmem>> -> memref<128x128xf32, #tpu.memory_space<vmem>>
    %dma_start3A_66 = arith.constant 0 : i32
    %dma_start3A_67 = tpu.memref_slice %arg2[%multiple_of3A_60, %dma_start3A_66] : memref<320000x128xf32, #tpu.memory_space<hbm>> -> memref<128x128xf32, #tpu.memory_space<hbm>>
    %dma_start3A_68 = arith.constant 0 : i32
    %dma_start3A_69 = arith.constant 0 : i32
    %dma_start3A_70 = tpu.memref_slice %arg5[%dma_start3A_61, %dma_start3A_68, %dma_start3A_69] : memref<3x128x128xf32, #tpu.memory_space<vmem>> -> memref<1x128x128xf32, #tpu.memory_space<vmem>>
    %dma_start3A_71 = tpu.memref_squeeze %dma_start3A_70 : memref<1x128x128xf32, #tpu.memory_space<vmem>> -> memref<128x128xf32, #tpu.memory_space<vmem>>
    %dma_start3A_72 = arith.constant 0 : i32
    %dma_start3A_73 = tpu.memref_slice %arg2[%multiple_of3A_60, %dma_start3A_72] : memref<320000x128xf32, #tpu.memory_space<hbm>> -> memref<128x128xf32, #tpu.memory_space<hbm>>
    tpu.enqueue_dma source(%dma_start3A_73 : memref<128x128xf32, #tpu.memory_space<hbm>>) target(%dma_start3A_71 : memref<128x128xf32, #tpu.memory_space<vmem>>) target_semaphore(%arg10 : memref<!tpu.dma_semaphore, #tpu.memory_space<semaphore_mem>>)
    %barrier3A = arith.constant 0 : index
    tpu.barrier barrier_id(%barrier3A)
    %scan3A_74 = arith.constant 0 : i32
    %scan3A_75 = arith.constant 0 : i32
    %scan3A_76 = arith.constant 26 : i32
    %scan3A_77 = arith.addi %scan3A_75, %scan3A_76 : i32
    %scan3A_78 = arith.constant 1 : i32
    scf.for %scan3A_83 = %scan3A_75 to %scan3A_77 step %scan3A_78  : i32 {
      %mul3A_84 = arith.constant 3 : i32
      %mul3A_85 = arith.muli %scan3A_83, %mul3A_84 : i32
      %add3A_86 = arith.constant 0 : i32
      %add3A_87 = arith.addi %mul3A_85, %add3A_86 : i32
      %add3A_88 = arith.constant 2 : i32
      %add3A_89 = arith.addi %add3A_87, %add3A_88 : i32
      %lt3A_90 = arith.cmpi slt, %add3A_89, %select_n3A_12 : i32
      %convert_element_type3A_91 = arith.extui %lt3A_90 : i1 to i32
      %cond3A_92 = arith.constant 0 : i32
      %cond3A_93 = arith.cmpi ne, %convert_element_type3A_91, %cond3A_92 : i32
      scf.if %cond3A_93 {
        %add3A_167 = arith.constant 2 : i32
        %add3A_168 = arith.addi %add3A_87, %add3A_167 : i32
        %mul3A_169 = arith.constant 128 : i32
        %mul3A_170 = arith.muli %add3A_168, %mul3A_169 : i32
        %add3A_171 = arith.addi %select_n3A, %mul3A_170 : i32
        %multiple_of3A_172 = tpu.assume_multiple %add3A_171, 8 : i32
        %dma_start3A_173 = arith.constant 2 : i32
        %dma_start3A_174 = arith.constant 0 : i32
        %dma_start3A_175 = arith.constant 0 : i32
        %dma_start3A_176 = tpu.memref_slice %arg5[%dma_start3A_173, %dma_start3A_174, %dma_start3A_175] : memref<3x128x128xf32, #tpu.memory_space<vmem>> -> memref<1x128x128xf32, #tpu.memory_space<vmem>>
        %dma_start3A_177 = tpu.memref_squeeze %dma_start3A_176 : memref<1x128x128xf32, #tpu.memory_space<vmem>> -> memref<128x128xf32, #tpu.memory_space<vmem>>
        %dma_start3A_178 = arith.constant 0 : i32
        %dma_start3A_179 = tpu.memref_slice %arg2[%multiple_of3A_172, %dma_start3A_178] : memref<320000x128xf32, #tpu.memory_space<hbm>> -> memref<128x128xf32, #tpu.memory_space<hbm>>
        %dma_start3A_180 = arith.constant 0 : i32
        %dma_start3A_181 = arith.constant 0 : i32
        %dma_start3A_182 = tpu.memref_slice %arg5[%dma_start3A_173, %dma_start3A_180, %dma_start3A_181] : memref<3x128x128xf32, #tpu.memory_space<vmem>> -> memref<1x128x128xf32, #tpu.memory_space<vmem>>
        %dma_start3A_183 = tpu.memref_squeeze %dma_start3A_182 : memref<1x128x128xf32, #tpu.memory_space<vmem>> -> memref<128x128xf32, #tpu.memory_space<vmem>>
        %dma_start3A_184 = arith.constant 0 : i32
        %dma_start3A_185 = tpu.memref_slice %arg2[%multiple_of3A_172, %dma_start3A_184] : memref<320000x128xf32, #tpu.memory_space<hbm>> -> memref<128x128xf32, #tpu.memory_space<hbm>>
        tpu.enqueue_dma source(%dma_start3A_185 : memref<128x128xf32, #tpu.memory_space<hbm>>) target(%dma_start3A_183 : memref<128x128xf32, #tpu.memory_space<vmem>>) target_semaphore(%arg11 : memref<!tpu.dma_semaphore, #tpu.memory_space<semaphore_mem>>)
      } else {
      }
      %mul3A_94 = arith.constant 128 : i32
      %mul3A_95 = arith.muli %add3A_87, %mul3A_94 : i32
      %add3A_96 = arith.addi %select_n3A, %mul3A_95 : i32
      %multiple_of3A_97 = tpu.assume_multiple %add3A_96, 8 : i32
      %dma_wait3A = arith.constant 0 : i32
      %dma_wait3A_98 = arith.constant 0 : i32
      %dma_wait3A_99 = arith.constant 0 : i32
      %dma_wait3A_100 = tpu.memref_slice %arg5[%dma_wait3A, %dma_wait3A_98, %dma_wait3A_99] : memref<3x128x128xf32, #tpu.memory_space<vmem>> -> memref<1x128x128xf32, #tpu.memory_space<vmem>>
      %dma_wait3A_101 = tpu.memref_squeeze %dma_wait3A_100 : memref<1x128x128xf32, #tpu.memory_space<vmem>> -> memref<128x128xf32, #tpu.memory_space<vmem>>
      %dma_wait3A_102 = arith.constant 0 : i32
      %dma_wait3A_103 = tpu.memref_slice %arg2[%multiple_of3A_97, %dma_wait3A_102] : memref<320000x128xf32, #tpu.memory_space<hbm>> -> memref<128x128xf32, #tpu.memory_space<hbm>>
      %dma_wait3A_104 = arith.constant 0 : i32
      %dma_wait3A_105 = arith.constant 0 : i32
      %dma_wait3A_106 = tpu.memref_slice %arg5[%dma_wait3A, %dma_wait3A_104, %dma_wait3A_105] : memref<3x128x128xf32, #tpu.memory_space<vmem>> -> memref<1x128x128xf32, #tpu.memory_space<vmem>>
      %dma_wait3A_107 = tpu.memref_squeeze %dma_wait3A_106 : memref<1x128x128xf32, #tpu.memory_space<vmem>> -> memref<128x128xf32, #tpu.memory_space<vmem>>
      %dma_wait3A_108 = arith.constant 0 : i32
      %dma_wait3A_109 = tpu.memref_slice %arg2[%multiple_of3A_97, %dma_wait3A_108] : memref<320000x128xf32, #tpu.memory_space<hbm>> -> memref<128x128xf32, #tpu.memory_space<hbm>>
      tpu.wait_dma2 semaphore(%arg9 : memref<!tpu.dma_semaphore, #tpu.memory_space<semaphore_mem>>) src(%dma_wait3A_109 : memref<128x128xf32, #tpu.memory_space<hbm>>) dst(%dma_wait3A_107 : memref<128x128xf32, #tpu.memory_space<vmem>>)
      %run_scoped3A_110 = arith.constant 0 : i32
      "tpu.region"() ({
        %run_scoped3A_167 = tpu.sem_alloc : memref<!tpu.dma_semaphore, #tpu.memory_space<semaphore_mem>>
        %dma_start3A_168 = arith.constant 0 : i32
        %dma_start3A_169 = arith.constant 0 : i32
        %dma_start3A_170 = tpu.memref_slice %arg5[%run_scoped3A_110, %dma_start3A_168, %dma_start3A_169] : memref<3x128x128xf32, #tpu.memory_space<vmem>> -> memref<1x128x128xf32, #tpu.memory_space<vmem>>
        %dma_start3A_171 = tpu.memref_squeeze %dma_start3A_170 : memref<1x128x128xf32, #tpu.memory_space<vmem>> -> memref<128x128xf32, #tpu.memory_space<vmem>>
        %dma_start3A_172 = arith.constant 0 : i32
        %dma_start3A_173 = arith.constant 0 : i32
        %dma_start3A_174 = tpu.memref_slice %arg12[%dma_start3A_172, %dma_start3A_173] : memref<10112x128xf32, #tpu.memory_space<vmem_shared>> -> memref<10112x128xf32, #tpu.memory_space<vmem_shared>>
        tpu.enqueue_indirect_dma source(%dma_start3A_171 : memref<128x128xf32, #tpu.memory_space<vmem>>) target(%dma_start3A_174 : memref<10112x128xf32, #tpu.memory_space<vmem_shared>>) offsets(%arg6 : memref<128xi32, #tpu.memory_space<vmem>>) semaphore(%run_scoped3A_167 : memref<!tpu.dma_semaphore, #tpu.memory_space<semaphore_mem>>) {add = true}
        %dma_wait3A_175 = arith.constant 0 : i32
        %dma_wait3A_176 = arith.constant 0 : i32
        %dma_wait3A_177 = tpu.memref_slice %arg5[%run_scoped3A_110, %dma_wait3A_175, %dma_wait3A_176] : memref<3x128x128xf32, #tpu.memory_space<vmem>> -> memref<1x128x128xf32, #tpu.memory_space<vmem>>
        %dma_wait3A_178 = tpu.memref_squeeze %dma_wait3A_177 : memref<1x128x128xf32, #tpu.memory_space<vmem>> -> memref<128x128xf32, #tpu.memory_space<vmem>>
        %dma_wait3A_179 = arith.constant 0 : i32
        %dma_wait3A_180 = arith.constant 0 : i32
        %dma_wait3A_181 = tpu.memref_slice %arg12[%dma_wait3A_179, %dma_wait3A_180] : memref<10112x128xf32, #tpu.memory_space<vmem_shared>> -> memref<10112x128xf32, #tpu.memory_space<vmem_shared>>
        tpu.wait_indirect_dma semaphore(%run_scoped3A_167 : memref<!tpu.dma_semaphore, #tpu.memory_space<semaphore_mem>>) src(%dma_wait3A_178 : memref<128x128xf32, #tpu.memory_space<vmem>>) dst(%dma_wait3A_181 : memref<10112x128xf32, #tpu.memory_space<vmem_shared>>)
        tpu.yield
      }) : () -> ()
      %mul3A_111 = arith.constant 3 : i32
      %mul3A_112 = arith.muli %scan3A_83, %mul3A_111 : i32
      %add3A_113 = arith.constant 1 : i32
      %add3A_114 = arith.addi %mul3A_112, %add3A_113 : i32
      %add3A_115 = arith.constant 2 : i32
      %add3A_116 = arith.addi %add3A_114, %add3A_115 : i32
      %lt3A_117 = arith.cmpi slt, %add3A_116, %select_n3A_12 : i32
      %convert_element_type3A_118 = arith.extui %lt3A_117 : i1 to i32
      %cond3A_119 = arith.constant 0 : i32
      %cond3A_120 = arith.cmpi ne, %convert_element_type3A_118, %cond3A_119 : i32
      scf.if %cond3A_120 {
        %add3A_167 = arith.constant 2 : i32
        %add3A_168 = arith.addi %add3A_114, %add3A_167 : i32
        %mul3A_169 = arith.constant 128 : i32
        %mul3A_170 = arith.muli %add3A_168, %mul3A_169 : i32
        %add3A_171 = arith.addi %select_n3A, %mul3A_170 : i32
        %multiple_of3A_172 = tpu.assume_multiple %add3A_171, 8 : i32
        %dma_start3A_173 = arith.constant 0 : i32
        %dma_start3A_174 = arith.constant 0 : i32
        %dma_start3A_175 = arith.constant 0 : i32
        %dma_start3A_176 = tpu.memref_slice %arg5[%dma_start3A_173, %dma_start3A_174, %dma_start3A_175] : memref<3x128x128xf32, #tpu.memory_space<vmem>> -> memref<1x128x128xf32, #tpu.memory_space<vmem>>
        %dma_start3A_177 = tpu.memref_squeeze %dma_start3A_176 : memref<1x128x128xf32, #tpu.memory_space<vmem>> -> memref<128x128xf32, #tpu.memory_space<vmem>>
        %dma_start3A_178 = arith.constant 0 : i32
        %dma_start3A_179 = tpu.memref_slice %arg2[%multiple_of3A_172, %dma_start3A_178] : memref<320000x128xf32, #tpu.memory_space<hbm>> -> memref<128x128xf32, #tpu.memory_space<hbm>>
        %dma_start3A_180 = arith.constant 0 : i32
        %dma_start3A_181 = arith.constant 0 : i32
        %dma_start3A_182 = tpu.memref_slice %arg5[%dma_start3A_173, %dma_start3A_180, %dma_start3A_181] : memref<3x128x128xf32, #tpu.memory_space<vmem>> -> memref<1x128x128xf32, #tpu.memory_space<vmem>>
        %dma_start3A_183 = tpu.memref_squeeze %dma_start3A_182 : memref<1x128x128xf32, #tpu.memory_space<vmem>> -> memref<128x128xf32, #tpu.memory_space<vmem>>
        %dma_start3A_184 = arith.constant 0 : i32
        %dma_start3A_185 = tpu.memref_slice %arg2[%multiple_of3A_172, %dma_start3A_184] : memref<320000x128xf32, #tpu.memory_space<hbm>> -> memref<128x128xf32, #tpu.memory_space<hbm>>
        tpu.enqueue_dma source(%dma_start3A_185 : memref<128x128xf32, #tpu.memory_space<hbm>>) target(%dma_start3A_183 : memref<128x128xf32, #tpu.memory_space<vmem>>) target_semaphore(%arg9 : memref<!tpu.dma_semaphore, #tpu.memory_space<semaphore_mem>>)
      } else {
      }
      %mul3A_121 = arith.constant 128 : i32
      %mul3A_122 = arith.muli %add3A_114, %mul3A_121 : i32
      %add3A_123 = arith.addi %select_n3A, %mul3A_122 : i32
      %multiple_of3A_124 = tpu.assume_multiple %add3A_123, 8 : i32
      %dma_wait3A_125 = arith.constant 1 : i32
      %dma_wait3A_126 = arith.constant 0 : i32
      %dma_wait3A_127 = arith.constant 0 : i32
      %dma_wait3A_128 = tpu.memref_slice %arg5[%dma_wait3A_125, %dma_wait3A_126, %dma_wait3A_127] : memref<3x128x128xf32, #tpu.memory_space<vmem>> -> memref<1x128x128xf32, #tpu.memory_space<vmem>>
      %dma_wait3A_129 = tpu.memref_squeeze %dma_wait3A_128 : memref<1x128x128xf32, #tpu.memory_space<vmem>> -> memref<128x128xf32, #tpu.memory_space<vmem>>
      %dma_wait3A_130 = arith.constant 0 : i32
      %dma_wait3A_131 = tpu.memref_slice %arg2[%multiple_of3A_124, %dma_wait3A_130] : memref<320000x128xf32, #tpu.memory_space<hbm>> -> memref<128x128xf32, #tpu.memory_space<hbm>>
      %dma_wait3A_132 = arith.constant 0 : i32
      %dma_wait3A_133 = arith.constant 0 : i32
      %dma_wait3A_134 = tpu.memref_slice %arg5[%dma_wait3A_125, %dma_wait3A_132, %dma_wait3A_133] : memref<3x128x128xf32, #tpu.memory_space<vmem>> -> memref<1x128x128xf32, #tpu.memory_space<vmem>>
      %dma_wait3A_135 = tpu.memref_squeeze %dma_wait3A_134 : memref<1x128x128xf32, #tpu.memory_space<vmem>> -> memref<128x128xf32, #tpu.memory_space<vmem>>
      %dma_wait3A_136 = arith.constant 0 : i32
      %dma_wait3A_137 = tpu.memref_slice %arg2[%multiple_of3A_124, %dma_wait3A_136] : memref<320000x128xf32, #tpu.memory_space<hbm>> -> memref<128x128xf32, #tpu.memory_space<hbm>>
      tpu.wait_dma2 semaphore(%arg10 : memref<!tpu.dma_semaphore, #tpu.memory_space<semaphore_mem>>) src(%dma_wait3A_137 : memref<128x128xf32, #tpu.memory_space<hbm>>) dst(%dma_wait3A_135 : memref<128x128xf32, #tpu.memory_space<vmem>>)
      %run_scoped3A_138 = arith.constant 1 : i32
      "tpu.region"() ({
        %run_scoped3A_167 = tpu.sem_alloc : memref<!tpu.dma_semaphore, #tpu.memory_space<semaphore_mem>>
        %dma_start3A_168 = arith.constant 0 : i32
        %dma_start3A_169 = arith.constant 0 : i32
        %dma_start3A_170 = tpu.memref_slice %arg5[%run_scoped3A_138, %dma_start3A_168, %dma_start3A_169] : memref<3x128x128xf32, #tpu.memory_space<vmem>> -> memref<1x128x128xf32, #tpu.memory_space<vmem>>
        %dma_start3A_171 = tpu.memref_squeeze %dma_start3A_170 : memref<1x128x128xf32, #tpu.memory_space<vmem>> -> memref<128x128xf32, #tpu.memory_space<vmem>>
        %dma_start3A_172 = arith.constant 0 : i32
        %dma_start3A_173 = arith.constant 0 : i32
        %dma_start3A_174 = tpu.memref_slice %arg12[%dma_start3A_172, %dma_start3A_173] : memref<10112x128xf32, #tpu.memory_space<vmem_shared>> -> memref<10112x128xf32, #tpu.memory_space<vmem_shared>>
        tpu.enqueue_indirect_dma source(%dma_start3A_171 : memref<128x128xf32, #tpu.memory_space<vmem>>) target(%dma_start3A_174 : memref<10112x128xf32, #tpu.memory_space<vmem_shared>>) offsets(%arg7 : memref<128xi32, #tpu.memory_space<vmem>>) semaphore(%run_scoped3A_167 : memref<!tpu.dma_semaphore, #tpu.memory_space<semaphore_mem>>) {add = true}
        %dma_wait3A_175 = arith.constant 0 : i32
        %dma_wait3A_176 = arith.constant 0 : i32
        %dma_wait3A_177 = tpu.memref_slice %arg5[%run_scoped3A_138, %dma_wait3A_175, %dma_wait3A_176] : memref<3x128x128xf32, #tpu.memory_space<vmem>> -> memref<1x128x128xf32, #tpu.memory_space<vmem>>
        %dma_wait3A_178 = tpu.memref_squeeze %dma_wait3A_177 : memref<1x128x128xf32, #tpu.memory_space<vmem>> -> memref<128x128xf32, #tpu.memory_space<vmem>>
        %dma_wait3A_179 = arith.constant 0 : i32
        %dma_wait3A_180 = arith.constant 0 : i32
        %dma_wait3A_181 = tpu.memref_slice %arg12[%dma_wait3A_179, %dma_wait3A_180] : memref<10112x128xf32, #tpu.memory_space<vmem_shared>> -> memref<10112x128xf32, #tpu.memory_space<vmem_shared>>
        tpu.wait_indirect_dma semaphore(%run_scoped3A_167 : memref<!tpu.dma_semaphore, #tpu.memory_space<semaphore_mem>>) src(%dma_wait3A_178 : memref<128x128xf32, #tpu.memory_space<vmem>>) dst(%dma_wait3A_181 : memref<10112x128xf32, #tpu.memory_space<vmem_shared>>)
        tpu.yield
      }) : () -> ()
      %mul3A_139 = arith.constant 3 : i32
      %mul3A_140 = arith.muli %scan3A_83, %mul3A_139 : i32
      %add3A_141 = arith.constant 2 : i32
      %add3A_142 = arith.addi %mul3A_140, %add3A_141 : i32
      %add3A_143 = arith.constant 2 : i32
      %add3A_144 = arith.addi %add3A_142, %add3A_143 : i32
      %lt3A_145 = arith.cmpi slt, %add3A_144, %select_n3A_12 : i32
      %convert_element_type3A_146 = arith.extui %lt3A_145 : i1 to i32
      %cond3A_147 = arith.constant 0 : i32
      %cond3A_148 = arith.cmpi ne, %convert_element_type3A_146, %cond3A_147 : i32
      scf.if %cond3A_148 {
        %add3A_167 = arith.constant 2 : i32
        %add3A_168 = arith.addi %add3A_142, %add3A_167 : i32
        %mul3A_169 = arith.constant 128 : i32
        %mul3A_170 = arith.muli %add3A_168, %mul3A_169 : i32
        %add3A_171 = arith.addi %select_n3A, %mul3A_170 : i32
        %multiple_of3A_172 = tpu.assume_multiple %add3A_171, 8 : i32
        %dma_start3A_173 = arith.constant 1 : i32
        %dma_start3A_174 = arith.constant 0 : i32
        %dma_start3A_175 = arith.constant 0 : i32
        %dma_start3A_176 = tpu.memref_slice %arg5[%dma_start3A_173, %dma_start3A_174, %dma_start3A_175] : memref<3x128x128xf32, #tpu.memory_space<vmem>> -> memref<1x128x128xf32, #tpu.memory_space<vmem>>
        %dma_start3A_177 = tpu.memref_squeeze %dma_start3A_176 : memref<1x128x128xf32, #tpu.memory_space<vmem>> -> memref<128x128xf32, #tpu.memory_space<vmem>>
        %dma_start3A_178 = arith.constant 0 : i32
        %dma_start3A_179 = tpu.memref_slice %arg2[%multiple_of3A_172, %dma_start3A_178] : memref<320000x128xf32, #tpu.memory_space<hbm>> -> memref<128x128xf32, #tpu.memory_space<hbm>>
        %dma_start3A_180 = arith.constant 0 : i32
        %dma_start3A_181 = arith.constant 0 : i32
        %dma_start3A_182 = tpu.memref_slice %arg5[%dma_start3A_173, %dma_start3A_180, %dma_start3A_181] : memref<3x128x128xf32, #tpu.memory_space<vmem>> -> memref<1x128x128xf32, #tpu.memory_space<vmem>>
        %dma_start3A_183 = tpu.memref_squeeze %dma_start3A_182 : memref<1x128x128xf32, #tpu.memory_space<vmem>> -> memref<128x128xf32, #tpu.memory_space<vmem>>
        %dma_start3A_184 = arith.constant 0 : i32
        %dma_start3A_185 = tpu.memref_slice %arg2[%multiple_of3A_172, %dma_start3A_184] : memref<320000x128xf32, #tpu.memory_space<hbm>> -> memref<128x128xf32, #tpu.memory_space<hbm>>
        tpu.enqueue_dma source(%dma_start3A_185 : memref<128x128xf32, #tpu.memory_space<hbm>>) target(%dma_start3A_183 : memref<128x128xf32, #tpu.memory_space<vmem>>) target_semaphore(%arg10 : memref<!tpu.dma_semaphore, #tpu.memory_space<semaphore_mem>>)
      } else {
      }
      %mul3A_149 = arith.constant 128 : i32
      %mul3A_150 = arith.muli %add3A_142, %mul3A_149 : i32
      %add3A_151 = arith.addi %select_n3A, %mul3A_150 : i32
      %multiple_of3A_152 = tpu.assume_multiple %add3A_151, 8 : i32
      %dma_wait3A_153 = arith.constant 2 : i32
      %dma_wait3A_154 = arith.constant 0 : i32
      %dma_wait3A_155 = arith.constant 0 : i32
      %dma_wait3A_156 = tpu.memref_slice %arg5[%dma_wait3A_153, %dma_wait3A_154, %dma_wait3A_155] : memref<3x128x128xf32, #tpu.memory_space<vmem>> -> memref<1x128x128xf32, #tpu.memory_space<vmem>>
      %dma_wait3A_157 = tpu.memref_squeeze %dma_wait3A_156 : memref<1x128x128xf32, #tpu.memory_space<vmem>> -> memref<128x128xf32, #tpu.memory_space<vmem>>
      %dma_wait3A_158 = arith.constant 0 : i32
      %dma_wait3A_159 = tpu.memref_slice %arg2[%multiple_of3A_152, %dma_wait3A_158] : memref<320000x128xf32, #tpu.memory_space<hbm>> -> memref<128x128xf32, #tpu.memory_space<hbm>>
      %dma_wait3A_160 = arith.constant 0 : i32
      %dma_wait3A_161 = arith.constant 0 : i32
      %dma_wait3A_162 = tpu.memref_slice %arg5[%dma_wait3A_153, %dma_wait3A_160, %dma_wait3A_161] : memref<3x128x128xf32, #tpu.memory_space<vmem>> -> memref<1x128x128xf32, #tpu.memory_space<vmem>>
      %dma_wait3A_163 = tpu.memref_squeeze %dma_wait3A_162 : memref<1x128x128xf32, #tpu.memory_space<vmem>> -> memref<128x128xf32, #tpu.memory_space<vmem>>
      %dma_wait3A_164 = arith.constant 0 : i32
      %dma_wait3A_165 = tpu.memref_slice %arg2[%multiple_of3A_152, %dma_wait3A_164] : memref<320000x128xf32, #tpu.memory_space<hbm>> -> memref<128x128xf32, #tpu.memory_space<hbm>>
      tpu.wait_dma2 semaphore(%arg11 : memref<!tpu.dma_semaphore, #tpu.memory_space<semaphore_mem>>) src(%dma_wait3A_165 : memref<128x128xf32, #tpu.memory_space<hbm>>) dst(%dma_wait3A_163 : memref<128x128xf32, #tpu.memory_space<vmem>>)
      %run_scoped3A_166 = arith.constant 2 : i32
      "tpu.region"() ({
        %run_scoped3A_167 = tpu.sem_alloc : memref<!tpu.dma_semaphore, #tpu.memory_space<semaphore_mem>>
        %dma_start3A_168 = arith.constant 0 : i32
        %dma_start3A_169 = arith.constant 0 : i32
        %dma_start3A_170 = tpu.memref_slice %arg5[%run_scoped3A_166, %dma_start3A_168, %dma_start3A_169] : memref<3x128x128xf32, #tpu.memory_space<vmem>> -> memref<1x128x128xf32, #tpu.memory_space<vmem>>
        %dma_start3A_171 = tpu.memref_squeeze %dma_start3A_170 : memref<1x128x128xf32, #tpu.memory_space<vmem>> -> memref<128x128xf32, #tpu.memory_space<vmem>>
        %dma_start3A_172 = arith.constant 0 : i32
        %dma_start3A_173 = arith.constant 0 : i32
        %dma_start3A_174 = tpu.memref_slice %arg12[%dma_start3A_172, %dma_start3A_173] : memref<10112x128xf32, #tpu.memory_space<vmem_shared>> -> memref<10112x128xf32, #tpu.memory_space<vmem_shared>>
        tpu.enqueue_indirect_dma source(%dma_start3A_171 : memref<128x128xf32, #tpu.memory_space<vmem>>) target(%dma_start3A_174 : memref<10112x128xf32, #tpu.memory_space<vmem_shared>>) offsets(%arg8 : memref<128xi32, #tpu.memory_space<vmem>>) semaphore(%run_scoped3A_167 : memref<!tpu.dma_semaphore, #tpu.memory_space<semaphore_mem>>) {add = true}
        %dma_wait3A_175 = arith.constant 0 : i32
        %dma_wait3A_176 = arith.constant 0 : i32
        %dma_wait3A_177 = tpu.memref_slice %arg5[%run_scoped3A_166, %dma_wait3A_175, %dma_wait3A_176] : memref<3x128x128xf32, #tpu.memory_space<vmem>> -> memref<1x128x128xf32, #tpu.memory_space<vmem>>
        %dma_wait3A_178 = tpu.memref_squeeze %dma_wait3A_177 : memref<1x128x128xf32, #tpu.memory_space<vmem>> -> memref<128x128xf32, #tpu.memory_space<vmem>>
        %dma_wait3A_179 = arith.constant 0 : i32
        %dma_wait3A_180 = arith.constant 0 : i32
        %dma_wait3A_181 = tpu.memref_slice %arg12[%dma_wait3A_179, %dma_wait3A_180] : memref<10112x128xf32, #tpu.memory_space<vmem_shared>> -> memref<10112x128xf32, #tpu.memory_space<vmem_shared>>
        tpu.wait_indirect_dma semaphore(%run_scoped3A_167 : memref<!tpu.dma_semaphore, #tpu.memory_space<semaphore_mem>>) src(%dma_wait3A_178 : memref<128x128xf32, #tpu.memory_space<vmem>>) dst(%dma_wait3A_181 : memref<10112x128xf32, #tpu.memory_space<vmem_shared>>)
        tpu.yield
      }) : () -> ()
    }
    %scan3A_79 = arith.constant 26 : i32
    %eq3A = arith.constant 79 : i32
    %eq3A_80 = arith.cmpi eq, %select_n3A_12, %eq3A : i32
    %convert_element_type3A = arith.extui %eq3A_80 : i1 to i32
    %cond3A = arith.constant 0 : i32
    %cond3A_81 = arith.cmpi ne, %convert_element_type3A, %cond3A : i32
    scf.if %cond3A_81 {
      %add3A_83 = arith.constant 9984 : i32
      %add3A_84 = arith.addi %select_n3A, %add3A_83 : i32
      %multiple_of3A_85 = tpu.assume_multiple %add3A_84, 8 : i32
      %dma_wait3A = arith.constant 0 : i32
      %dma_wait3A_86 = arith.constant 0 : i32
      %dma_wait3A_87 = arith.constant 0 : i32
      %dma_wait3A_88 = tpu.memref_slice %arg5[%dma_wait3A, %dma_wait3A_86, %dma_wait3A_87] : memref<3x128x128xf32, #tpu.memory_space<vmem>> -> memref<1x128x128xf32, #tpu.memory_space<vmem>>
      %dma_wait3A_89 = tpu.memref_squeeze %dma_wait3A_88 : memref<1x128x128xf32, #tpu.memory_space<vmem>> -> memref<128x128xf32, #tpu.memory_space<vmem>>
      %dma_wait3A_90 = arith.constant 0 : i32
      %dma_wait3A_91 = tpu.memref_slice %arg2[%multiple_of3A_85, %dma_wait3A_90] : memref<320000x128xf32, #tpu.memory_space<hbm>> -> memref<128x128xf32, #tpu.memory_space<hbm>>
      %dma_wait3A_92 = arith.constant 0 : i32
      %dma_wait3A_93 = arith.constant 0 : i32
      %dma_wait3A_94 = tpu.memref_slice %arg5[%dma_wait3A, %dma_wait3A_92, %dma_wait3A_93] : memref<3x128x128xf32, #tpu.memory_space<vmem>> -> memref<1x128x128xf32, #tpu.memory_space<vmem>>
      %dma_wait3A_95 = tpu.memref_squeeze %dma_wait3A_94 : memref<1x128x128xf32, #tpu.memory_space<vmem>> -> memref<128x128xf32, #tpu.memory_space<vmem>>
      %dma_wait3A_96 = arith.constant 0 : i32
      %dma_wait3A_97 = tpu.memref_slice %arg2[%multiple_of3A_85, %dma_wait3A_96] : memref<320000x128xf32, #tpu.memory_space<hbm>> -> memref<128x128xf32, #tpu.memory_space<hbm>>
      tpu.wait_dma2 semaphore(%arg9 : memref<!tpu.dma_semaphore, #tpu.memory_space<semaphore_mem>>) src(%dma_wait3A_97 : memref<128x128xf32, #tpu.memory_space<hbm>>) dst(%dma_wait3A_95 : memref<128x128xf32, #tpu.memory_space<vmem>>)
      %run_scoped3A_98 = arith.constant 0 : i32
      "tpu.region"() ({
        %run_scoped3A_99 = tpu.sem_alloc : memref<!tpu.dma_semaphore, #tpu.memory_space<semaphore_mem>>
        %dma_start3A_100 = arith.constant 0 : i32
        %dma_start3A_101 = arith.constant 0 : i32
        %dma_start3A_102 = tpu.memref_slice %arg5[%run_scoped3A_98, %dma_start3A_100, %dma_start3A_101] : memref<3x128x128xf32, #tpu.memory_space<vmem>> -> memref<1x128x128xf32, #tpu.memory_space<vmem>>
        %dma_start3A_103 = tpu.memref_squeeze %dma_start3A_102 : memref<1x128x128xf32, #tpu.memory_space<vmem>> -> memref<128x128xf32, #tpu.memory_space<vmem>>
        %dma_start3A_104 = arith.constant 0 : i32
        %dma_start3A_105 = arith.constant 0 : i32
        %dma_start3A_106 = tpu.memref_slice %arg12[%dma_start3A_104, %dma_start3A_105] : memref<10112x128xf32, #tpu.memory_space<vmem_shared>> -> memref<10112x128xf32, #tpu.memory_space<vmem_shared>>
        tpu.enqueue_indirect_dma source(%dma_start3A_103 : memref<128x128xf32, #tpu.memory_space<vmem>>) target(%dma_start3A_106 : memref<10112x128xf32, #tpu.memory_space<vmem_shared>>) offsets(%arg6 : memref<128xi32, #tpu.memory_space<vmem>>) semaphore(%run_scoped3A_99 : memref<!tpu.dma_semaphore, #tpu.memory_space<semaphore_mem>>) {add = true}
        %dma_wait3A_107 = arith.constant 0 : i32
        %dma_wait3A_108 = arith.constant 0 : i32
        %dma_wait3A_109 = tpu.memref_slice %arg5[%run_scoped3A_98, %dma_wait3A_107, %dma_wait3A_108] : memref<3x128x128xf32, #tpu.memory_space<vmem>> -> memref<1x128x128xf32, #tpu.memory_space<vmem>>
        %dma_wait3A_110 = tpu.memref_squeeze %dma_wait3A_109 : memref<1x128x128xf32, #tpu.memory_space<vmem>> -> memref<128x128xf32, #tpu.memory_space<vmem>>
        %dma_wait3A_111 = arith.constant 0 : i32
        %dma_wait3A_112 = arith.constant 0 : i32
        %dma_wait3A_113 = tpu.memref_slice %arg12[%dma_wait3A_111, %dma_wait3A_112] : memref<10112x128xf32, #tpu.memory_space<vmem_shared>> -> memref<10112x128xf32, #tpu.memory_space<vmem_shared>>
        tpu.wait_indirect_dma semaphore(%run_scoped3A_99 : memref<!tpu.dma_semaphore, #tpu.memory_space<semaphore_mem>>) src(%dma_wait3A_110 : memref<128x128xf32, #tpu.memory_space<vmem>>) dst(%dma_wait3A_113 : memref<10112x128xf32, #tpu.memory_space<vmem_shared>>)
        tpu.yield
      }) : () -> ()
    } else {
    }
    %barrier3A_82 = arith.constant 0 : index
    tpu.barrier barrier_id(%barrier3A_82)
    "tpu.region"() ({
      %run_scoped3A_83 = tpu.sem_alloc : memref<!tpu.dma_semaphore, #tpu.memory_space<semaphore_mem>>
      %dma_start3A_84 = arith.constant 0 : i32
      %dma_start3A_85 = arith.constant 0 : i32
      %dma_start3A_86 = tpu.memref_slice %arg4[%arg0, %dma_start3A_84, %dma_start3A_85] : memref<2x10112x128xf32, #tpu.memory_space<hbm>> -> memref<1x10112x128xf32, #tpu.memory_space<hbm>>
      %dma_start3A_87 = tpu.memref_squeeze %dma_start3A_86 : memref<1x10112x128xf32, #tpu.memory_space<hbm>> -> memref<10112x128xf32, #tpu.memory_space<hbm>>
      %dma_start3A_88 = arith.constant 0 : i32
      %dma_start3A_89 = tpu.memref_slice %dma_start3A_87[%multiple_of3A, %dma_start3A_88] : memref<10112x128xf32, #tpu.memory_space<hbm>> -> memref<632x128xf32, #tpu.memory_space<hbm>>
      %dma_start3A_90 = arith.constant 0 : i32
      %dma_start3A_91 = tpu.memref_slice %arg12[%multiple_of3A, %dma_start3A_90] : memref<10112x128xf32, #tpu.memory_space<vmem_shared>> -> memref<632x128xf32, #tpu.memory_space<vmem_shared>>
      tpu.enqueue_dma source(%dma_start3A_91 : memref<632x128xf32, #tpu.memory_space<vmem_shared>>) target(%dma_start3A_89 : memref<632x128xf32, #tpu.memory_space<hbm>>) target_semaphore(%run_scoped3A_83 : memref<!tpu.dma_semaphore, #tpu.memory_space<semaphore_mem>>)
      %dma_wait3A = arith.constant 0 : i32
      %dma_wait3A_92 = arith.constant 0 : i32
      %dma_wait3A_93 = tpu.memref_slice %arg4[%arg0, %dma_wait3A, %dma_wait3A_92] : memref<2x10112x128xf32, #tpu.memory_space<hbm>> -> memref<1x10112x128xf32, #tpu.memory_space<hbm>>
      %dma_wait3A_94 = tpu.memref_squeeze %dma_wait3A_93 : memref<1x10112x128xf32, #tpu.memory_space<hbm>> -> memref<10112x128xf32, #tpu.memory_space<hbm>>
      %dma_wait3A_95 = arith.constant 0 : i32
      %dma_wait3A_96 = tpu.memref_slice %dma_wait3A_94[%multiple_of3A, %dma_wait3A_95] : memref<10112x128xf32, #tpu.memory_space<hbm>> -> memref<632x128xf32, #tpu.memory_space<hbm>>
      %dma_wait3A_97 = arith.constant 0 : i32
      %dma_wait3A_98 = tpu.memref_slice %arg12[%multiple_of3A, %dma_wait3A_97] : memref<10112x128xf32, #tpu.memory_space<vmem_shared>> -> memref<632x128xf32, #tpu.memory_space<vmem_shared>>
      tpu.wait_dma2 semaphore(%run_scoped3A_83 : memref<!tpu.dma_semaphore, #tpu.memory_space<semaphore_mem>>) src(%dma_wait3A_98 : memref<632x128xf32, #tpu.memory_space<vmem_shared>>) dst(%dma_wait3A_96 : memref<632x128xf32, #tpu.memory_space<hbm>>)
      tpu.yield
    }) : () -> ()
    return
  }
}

module attributes {stable_mosaic.version = 14 : i64} {
  func.func @_combine_body(%arg0: i32, %arg1: memref<2x1000x128xf32, #tpu.memory_space<vmem>>, %arg2: memref<1000x128xf32, #tpu.memory_space<vmem>>) attributes {dimension_semantics = [#tpu.dimension_semantics<arbitrary>], iteration_bounds = array<i64: 10>, scalar_prefetch = 0 : i64, scratch_operands = 0 : i64, tpu.core_type = #tpu.core_type<tc>, window_params = [{transform_indices = @transform_0, window_bounds = array<i64: 2, 1000, 128>}, {transform_indices = @transform_1, window_bounds = array<i64: 1000, 128>}]} {
    %get3A = arith.constant 0 : index
    %get3A_0 = arith.constant 0 : index
    %get3A_1 = arith.constant 0 : index
    %get3A_2 = vector.load %arg1[%get3A, %get3A_0, %get3A_1] : memref<2x1000x128xf32, #tpu.memory_space<vmem>>, vector<1x1000x128xf32>
    %get3A_3 = vector.shape_cast %get3A_2 : vector<1x1000x128xf32> to vector<1000x128xf32>
    %get3A_4 = arith.constant 1 : index
    %get3A_5 = arith.constant 0 : index
    %get3A_6 = arith.constant 0 : index
    %get3A_7 = vector.load %arg1[%get3A_4, %get3A_5, %get3A_6] : memref<2x1000x128xf32, #tpu.memory_space<vmem>>, vector<1x1000x128xf32>
    %get3A_8 = vector.shape_cast %get3A_7 : vector<1x1000x128xf32> to vector<1000x128xf32>
    %add3A = arith.addf %get3A_3, %get3A_8 : vector<1000x128xf32>
    %swap3A = arith.constant 0 : index
    %swap3A_9 = arith.constant 0 : index
    %swap3A_10 = vector.load %arg2[%swap3A, %swap3A_9] : memref<1000x128xf32, #tpu.memory_space<vmem>>, vector<1000x128xf32>
    tpu.vector_store %arg2[%swap3A, %swap3A_9], %add3A {strides = array<i32>} : memref<1000x128xf32, #tpu.memory_space<vmem>>, vector<1000x128xf32>,
    return
  }
  func.func @transform_0(%arg0: i32) -> (i32, i32, i32) {
    %c0_i32 = arith.constant 0 : i32
    %c0_i32_0 = arith.constant 0 : i32
    %c0_i32_1 = arith.constant 0 : i32
    return %c0_i32, %arg0, %c0_i32_0 : i32, i32, i32
  }
  func.func @transform_1(%arg0: i32) -> (i32, i32) {
    %c0_i32 = arith.constant 0 : i32
    %c0_i32_0 = arith.constant 0 : i32
    return %arg0, %c0_i32 : i32, i32
  }
}

</mosaic_0001>

<sc_bundles>
// kernel: kernel.4.cloned.1.call-start
scs
__scs_entry_jumppad:
0x0: {  	(pc) =	sbr.rel $0x88, $3  }
0x1: {  	(tag) =	ssettag $0x0;
	lr =	simm.s32 $0x1  }
0x2: {  	[smem:$0x3F9F] =	sst lr;
	_ =	strace $0xD0000000  }
0x3: {  	_ = 	snop  }
0x4: {  	_ = 	snop  }
0x5: {  	_ = 	snop  }
0x6: {  	_ = 	snop  }
0x7: {  	_ = 	snop  }
__scs_overlays_trampoline_lowered:
0x8: {  	[smem:$0x3FAE] =	sst s0  }
0x9: {  	[smem:$0x3FAF] =	sst s1  }
0xa: {  	[smem:$0x3FB0] =	sst s2  }
0xb: {  	[smem:$0x3FB1] =	sst s3  }
0xc: {  	[smem:$0x3FB2] =	sst s4  }
0xd: {  	[smem:$0x3FB3] =	sst s5  }
0xe: {  	[smem:$0x3FB4] =	sst s6  }
0xf: {  	[smem:$0x3FB5] =	sst s7  }
0x10: {  	[smem:$0x3FB6] =	sst s8  }
0x11: {  	[smem:$0x3FB7] =	sst s9;
	s0 =	simm.s32 @!p0 $0x0  }
0x12: {  	s1 =	sld [smem:$0x3F9D];
	s0 =	simm.s32 @p0 $0x1  }
0x13: {  	[smem:$0x3FB8] =	sst s0;
	s0 =	simm.s32 @!p1 $0x0  }
0x14: {  	s2 =	sld [smem:$0x3F9C];
	s0 =	simm.s32 @p1 $0x1  }
0x15: {  	[smem:$0x3FB9] =	sst s0;
	s0 =	simm.s32 @!p2 $0x0  }
0x16: {  	s3 =	sld [smem:$0x3FDB];
	s0 =	simm.s32 @p2 $0x1  }
0x17: {  	s4 =	simm.s32 $0x1BF5;
	[smem:$0x3FBB] =	sst s0  }
0x18: {  	s0 =	sld [smem:$0x3F9E];
	_ =	swait.ge [sflag:s4], $0x0  }
0x19: {  	s7 =	sld [smem:$0x3F9F]  }
0x1a: {  	s8 =	sadd.s32 $0xFFFFE003, lr  }
0x1b: {  	s9 =	sadd.s32 $0xFFFFFEF7, lr;
	s5 =	simm.s32 $0xFFFFFFFF;
	p2 =	slt.u32 s8, $0xFFFFF086  }
0x1c: {  	p1 =	slt.u32 s9, $0xF7A;
	s5 =	simm.s32 @!p2 $0x0  }
0x1d: {  	s5 =	simm.s32 @p1 $0x1;
	p0 =	seq.s32 s7, s2  }
0x1e: {  	s7 =	smul.u32 @!p0 $0xF7A, s2;
	p2 =	seq.s32 @!p0 s5, $0x0  }
0x1f: {  	s9 =	smul.u32 $0xF7A, s1;
	s8 =	simm.s32 @!p0 $0x1BF5;
	p2 =	por !p2, p0  }
0x20: {  	[sflag:s8] =	ssyncset.s32 @!p0 $0xFFFFF086;
	s6 =	sadd.s32 @!p0 s3, s7;
	s7 =	simm.s32 @!p0 $0x108  }
0x21: {  	s3 =	sadd.s32 s3, s9;
	s6 =	sadd.s32 @!p0 $0x88, s6;
	s7 =	simm.s32 @p2 $0x1082  }
0x22: {  	[simem:s7], [sflag:s8] =	dma.local @!p0 [hbm:s6], $0xF7A  }
0x23: {  	s9 =	sor.u32 $0xD0000000, s2;
	s6 =	simm.s32 $0x108;
	_ =	swait.ge @!p0 [sflag:s8], $0x0  }
0x24: {  	s3 =	sadd.s32 $0x88, s3;
	s6 =	simm.s32 @!p1 $0x1082;
	[sflag:s4] =	ssyncset.s32 $0xFFFFF086  }
0x25: {  	[simem:s6], [sflag:s4] =	dma.local [hbm:s3], $0xF7A  }
0x26: {  	[smem:$0x3F9F] =	sst s1;
	(tag) =	ssettag s2;
	_ =	strace s9  }
0x27: {  	s1 =	sld [smem:$0x3FAF]  }
0x28: {  	s2 =	sld [smem:$0x3FB0]  }
0x29: {  	s4 =	sld [smem:$0x3FB2]  }
0x2a: {  	p0 =	seq.s32 s5, $0x0;
	s5 =	sld [smem:$0x3FB3]  }
0x2b: {  	s6 =	sld [smem:$0x3FB4]  }
0x2c: {  	s7 =	sld [smem:$0x3FB5]  }
0x2d: {  	s3 =	simm.s32 $0x108;
	s8 =	sld [smem:$0x3FB6]  }
0x2e: {  	s3 =	simm.s32 @!p0 $0x1082;
	s9 =	sld [smem:$0x3FB7]  }
0x2f: {  	lr =	sadd.s32 s0, s3;
	s0 =	sld [smem:$0x3FAE]  }
0x30: {  	s3 =	sld [smem:$0x3FB1]  }
0x31: {  	[smem:$0x3FBA] =	sst s10  }
0x32: {  	s10 =	sld [smem:$0x3FB8];
	_ =	sdelay $0x3  }
0x33: {  	p0 =	seq.s32 s10, $0x1;
	s10 =	sld [smem:$0x3FBA];
	_ =	sdelay $0x3  }
0x34: {  	[smem:$0x3FBA] =	sst s10  }
0x35: {  	s10 =	sld [smem:$0x3FB9];
	_ =	sdelay $0x3  }
0x36: {  	p1 =	seq.s32 s10, $0x1;
	s10 =	sld [smem:$0x3FBA];
	_ =	sdelay $0x3  }
0x37: {  	[smem:$0x3FBA] =	sst s10  }
0x38: {  	s10 =	sld [smem:$0x3FBB]  }
0x39: {  	_ = 	snop;
	(pc) =	sbr.ind lr, $3  }
0x3a: {  	_ = 	snop  }
0x3b: {  	_ = 	snop  }
0x3c: {  	p2 =	seq.s32 s10, $0x1;
	s10 =	sld [smem:$0x3FBA]  }
0x3d: {  	_ =	shalt  }
0x3e: {  	_ =	shalt  }
0x3f: {  	_ =	shalt  }
0x40: {  	_ =	shalt  }
0x41: {  	_ =	shalt  }
0x42: {  	_ =	shalt  }
0x43: {  	_ =	shalt  }
0x44: {  	_ =	shalt  }
0x45: {  	_ =	shalt  }
0x46: {  	_ =	shalt  }
0x47: {  	_ =	shalt  }
0x48: {  	_ =	shalt  }
0x49: {  	_ =	shalt  }
0x4a: {  	_ =	shalt  }
0x4b: {  	_ =	shalt  }
0x4c: {  	_ =	shalt  }
0x4d: {  	_ =	shalt  }
0x4e: {  	_ =	shalt  }
0x4f: {  	_ =	shalt  }
0x50: {  	_ =	shalt  }
0x51: {  	_ =	shalt  }
0x52: {  	_ =	shalt  }
0x53: {  	_ =	shalt  }
0x54: {  	_ =	shalt  }
0x55: {  	_ =	shalt  }
0x56: {  	_ =	shalt  }
0x57: {  	_ =	shalt  }
0x58: {  	_ =	shalt  }
0x59: {  	_ =	shalt  }
0x5a: {  	_ =	shalt  }
0x5b: {  	_ =	shalt  }
0x5c: {  	_ =	shalt  }
0x5d: {  	_ =	shalt  }
0x5e: {  	_ =	shalt  }
0x5f: {  	_ =	shalt  }
0x60: {  	_ =	shalt  }
0x61: {  	_ =	shalt  }
0x62: {  	_ =	shalt  }
0x63: {  	_ =	shalt  }
0x64: {  	_ =	shalt  }
0x65: {  	_ =	shalt  }
0x66: {  	_ =	shalt  }
0x67: {  	_ =	shalt  }
0x68: {  	_ =	shalt  }
0x69: {  	_ =	shalt  }
0x6a: {  	_ =	shalt  }
0x6b: {  	_ =	shalt  }
0x6c: {  	_ =	shalt  }
0x6d: {  	_ =	shalt  }
0x6e: {  	_ =	shalt  }
0x6f: {  	_ =	shalt  }
0x70: {  	_ =	shalt  }
0x71: {  	_ =	shalt  }
0x72: {  	_ =	shalt  }
0x73: {  	_ =	shalt  }
0x74: {  	_ =	shalt  }
0x75: {  	_ =	shalt  }
0x76: {  	_ =	shalt  }
0x77: {  	_ =	shalt  }
0x78: {  	_ =	shalt  }
0x79: {  	_ =	shalt  }
0x7a: {  	_ =	shalt  }
0x7b: {  	_ =	shalt  }
0x7c: {  	_ =	shalt  }
0x7d: {  	_ =	shalt  }
0x7e: {  	_ =	shalt  }
0x7f: {  	_ =	shalt  }
0x80: {  	_ =	shalt  }
0x81: {  	_ =	shalt  }
0x82: {  	_ =	shalt  }
0x83: {  	_ =	shalt  }
0x84: {  	_ =	shalt  }
0x85: {  	_ =	shalt  }
0x86: {  	_ =	shalt  }
0x87: {  	_ =	shalt  }
.Lfunc_end0:
.L_simem_size_0:
called_computation_lowered:
.L_overlay_start_0:
0x88: {  	s2 =	sld [smem:$0x3FD9]  }
0x89: {  	s3 =	sld [smem:$0x3FFE];
	_ =	sdelay $0x1  }
0x8a: {  	s1 =	srdreg.scid  }
0x8b: {  	s0 =	sand.u32 $0x1, s1  }
0x8c: {  	s17 =	sshll.u32 s0, $0xA;
	s2 =	sadd.s32 s3, s2  }
0x8d: {  	s2 =	sadd.s32 s2, s17  }
0x8e: {  	[smem:$0x3FC6] =	sst s2  }
0x8f: {  	_ = 	snop  }
0x90: {  	s2 =	sld [smem:$0x3FC9]  }
0x91: {  	s18 =	sld [smem:$0x3FC8];
	(tm) =	ssettm $0x1  }
0x92: {  	s4 =	sld [smem:$0x3FFB];
	_ =	sdelay $0x3  }
0x93: {  	_ =	strace s4  }
0x94: {  	s4 =	sld [smem:$0x3FFC];
	_ =	sdelay $0x3  }
0x95: {  	_ =	strace s4  }
0x96: {  	s4 =	sld [smem:$0x3FFD];
	_ =	sdelay $0x3  }
0x97: {  	_ =	strace s4  }
0x98: {  	_ =	strace $0x8FFFFFFF  }
0x99: {  	s19 =	sld [smem:$0x3FDB];
	_ =	sdelay $0x1  }
0x9a: {  	s5 =	simm.s32 $_scs_section_size  }
0x9b: {  	s6 =	simm.s32 $_size__tile_overlayer_lowered;
	s7 =	simm.s32 $_tile_overlayer_lowered  }
0x9c: {  	s22 =	simm.s32 $0x1BFF;
	s21 =	sshll.u32 s7, $0x1;
	s4 =	sadd.s32 s5, s19  }
0x9d: {  	s8 =	simm.s32 $0x0;
	s20 =	sshll.u32 s6, $0x1;
	s6 =	sadd.s32 s21, s4  }
0x9e: {  	[timem:s8], [sflag:s22] =	dma.local [hbm:s6], s20  }
0x9f: {  	_ =	swait.ge [sflag:s22], s20  }
0xa0: {  	s5 =	ssub.s32 $0x0, s20;
	[sflag:s22] =	ssyncset.done $0x0  }
0xa1: {  	[sflag:s22] =	ssyncadd.s32 s5;
	_ =	sdelay $0x1  }
0xa2: {  	s23 =	simm.s32 $0x1B8B  }
0xa3: {  	_ =	swait.ge [sflag:s23], $0x1  }
0xa4: {  	[sflag:s23] =	ssyncset.done $0x0  }
0xa5: {  	s25 =	simm.s32 $0x1B8E;
	s24 =	sld [smem:$0x3FFE];
	[sflag:s23] =	ssyncadd.s32 $0xFFFFFFFF  }
0xa6: {  	s26 =	simm.s32 $execute0_lowered;
	[smem:$0x3FD2] =	sst s25  }
0xa7: {  	s6 =	sshll.u32 s26, $0x1;
	_ =	strace $0x80000046;
	[dreg:$0x1] =	wrdreg $0xFFFFFFFF  }
0xa8: {  	s28 =	simm.s32 $_size_execute0_lowered;
	s4 =	sadd.s32 s4, s6;
	[dreg:$0x0] =	wrdreg $0x0  }
0xa9: {  	s6 =	sshll.u32 s28, $0x1;
	[dreg:$0x2] =	wrdreg s4  }
0xaa: {  	[dreg:$0x3] =	wrdreg s6  }
0xab: {  	[dreg:$0x4] =	wrdreg $0xC0  }
0xac: {  	_ =	task [dreg:s8], $0x5FFFF  }
0xad: {  	[dreg:$0x1] =	wrdreg $0xFFFFFFFF  }
0xae: {  	[dreg:$0x0] =	wrdreg $0x60  }
0xaf: {  	[dreg:$0x2] =	wrdreg s2  }
0xb0: {  	[dreg:$0x3] =	wrdreg s18  }
0xb1: {  	[dreg:$0x4] =	wrdreg s24  }
0xb2: {  	[dreg:$0x5] =	wrdreg $0xC1800  }
0xb3: {  	[dreg:$0x6] =	wrdreg $0x9  }
0xb4: {  	_ =	task.clear_ibuf [dreg:s8], $0x7FFFF;
	_ =	strace $0x90000046  }
0xb5: {  	s29 =	simm.s32 $0x9;
	_ =	strace $0x80000048  }
0xb6: {  	_ =	swait.ge [sflag:s29], $0x1  }
0xb7: {  	[sflag:s29] =	ssyncadd.s32 $0xFFFFFFFF  }
0xb8: {  	_ =	strace $0x90000048  }
0xb9: {  	_ =	sfence  }
0xba: {  	s30 =	sld [smem:$0x0];
	_ =	sdelay $0x2  }
0xbb: {  	s31 =	sshll.u32 s1, $0xD;
	s1 =	sshrl.u32 s1, $0x2  }
0xbc: {  	s3 =	sand.u32 $0x4000, s31;
	s1 =	sadd.s32 s1, s30  }
0xbd: {  	s0 =	sor.u32 s3, s0;
	s1 =	sshll.u32 s1, $0x11  }
0xbe: {  	s0 =	sor.u32 s1, s0  }
0xbf: {  	s0 =	sadd.s32 $0x8F2B, s0  }
0xc0: {  	[sflag:s0] =	ssyncadd.remote.s32 $0x1  }
0xc1: {  	_ =	sfence.sel $0xFFFF  }
0xc2: {  	[dreg:$0x0] =	wrdreg $0xFFFFFFFF;
	(pc) =	sbr.abs _section_cstart, $3  }
0xc3: {  	[dreg:$0x1] =	wrdreg $0xFFFFFFFF  }
0xc4: {  	_ =	task.clear_ibuf [dreg:s8], $0x2FFFF;
	_ =	strace $0x9FFFFFFF  }
0xc5: {  	(tm) =	ssettm $0x7FFFFFFF  }
tec
execute0_lowered:
.L_overlay_start_1:
0x0: {  	(tag) =	ssettag $0x1  }
0x1: {  	s8 =	rddreg [dreg:$0x0]  }
0x2: {  	s10 =	rddreg [dreg:$0x1]  }
0x3: {  	s4 =	rddreg [dreg:$0x2];
	s0 =	srdreg.scid  }
0x4: {  	s2 =	rddreg [dreg:$0x3];
	s1 =	stileid.u32;
	s3 =	simm.s32 $0x0  }
0x5: {  	s15 =	simm.s32 $0x4;
	s16 =	simm.s32 $0xC000;
	s17 =	simm.s32 $0xC080  }
0x6: {  	s18 =	simm.s32 $0xC100;
	s19 =	simm.s32 $0x4000;
	s20 =	simm.s32 $0x8000  }
0x7: {  	s21 =	simm.s32 $0x1;
	s22 =	simm.s32 $0x80;
	s9 =	smul.u32 $0x4F000, s1  }
0x8: {  	s26 =	simm.s32 $0x0;
	s5 =	sand.u32 $0x1, s0;
	s25 =	smul.u32 $0x2780, s1  }
0x9: {  	[smem:$0x7FF] =	sst s3;
	s6 =	sshll.u32 s5, $0x4;
	s7 =	smul.u32 $0x27800, s5  }
0xa: {  	_ =	strace $0x80000047;
	s5 =	ssub.s32 $0x2, s5;
	s23 =	sor.u32 s1, s6  }
0xb: {  	s29 =	sshrl.u32 s5, $0x1;
	s30 =	sshrl.u32 s9, $0x2;
	s6 =	smul.u32 $0x2700, s23  }
0xc: {  	s12 =	sadd.s32 s7, s4;
	s7 =	smul.u32 $0x2780, s23;
	s4 =	sadd.s32 s30, s2  }
0xd: {  	p0 =	slt.u32 s23, $0x4;
	s13 =	ssub.s32 s5, s29;
	s5 =	sadd.s32 $0x4000, s4  }
0xe: {  	s9 =	sadd.s32 $0x10000, s4;
	s24 =	sadd.s32 $0x600, s12;
	s12 =	smax.u32 s13, $0x1  }
0xf: {  	s11 =	sadd.s32 $0x200, s6;
	s6 =	sadd.s32 $0x8000, s4;
	s24 =	sadd.s32 s25, s24  }
0x10: {  	s25 =	simm.s32 $0x3;
	s11 =	smov.u32 @p0 s7;
	s7 =	sadd.s32 $0xC000, s4  }
0x11: {  	p0 =	sgt.u32 s23, $0x3;
	s31 =	sshll.u32 s11, $0x4;
	s11 =	sshrl.u32 s11, $0x3  }
0x12: {  	s23 =	simm.s32 $0x2;
	s8 =	sadd.s32 s8, s31;
	s10 =	sadd.s32 s10, s11  }
0x13: {  	v0 =	vimm.f32 $0.0e+00;
	s11 =	sadd.s32 $0x800, s8;
	s13 =	sadd.s32 $0x26800, s8;
	s14 =	sadd.s32 $0x27000, s8  }
.LBB2_1:
0x14: {  	s28 =	simm.s32 $0x0;
	s29 =	simm.s32 $0x200  }
.LBB2_2:
0x15: {  	p1 =	sne.s32 s29, $0xFE00;
	[tilespmem:s28+$0x70] =	vst v0  }
0x16: {  	[tilespmem:s28+$0x0] =	vst v0  }
0x17: {  	[tilespmem:s28+$0x10] =	vst v0  }
.Ltmp0:
0x18: {  	[tilespmem:s28+$0x20] =	vst v0;
	(pc) =	sbr.rel @p1 .LBB2_2-.Ltmp0, $4  }
0x19: {  	[tilespmem:s28+$0x30] =	vst v0  }
0x1a: {  	[tilespmem:s28+$0x40] =	vst v0  }
0x1b: {  	[tilespmem:s28+$0x50] =	vst v0  }
0x1c: {  	[tilespmem:s28+$0x60] =	vst v0;
	s28 =	sshra.s32 s29, $0x2;
	s29 =	sadd.s32 $0x200, s29  }
0x1d: {  	[tilespmem:s28+$0x70] =	vst v0  }
0x1e: {  	[tilespmem:s28+$0x0] =	vst v0  }
0x1f: {  	[tilespmem:s28+$0x10] =	vst v0  }
0x20: {  	[tilespmem:s28+$0x20] =	vst v0  }
0x21: {  	[tilespmem:s28+$0x30] =	vst v0  }
0x22: {  	[tilespmem:s28+$0x40] =	vst v0  }
0x23: {  	[tilespmem:s28+$0x50] =	vst v0  }
0x24: {  	[tilespmem:s28+$0x60] =	vst v0  }
0x25: {  	[spmem:s4] =	stream.linear.scatter [tilespmem:s3], [sflag:$0x4], $0x4000, $0x38;
	[tilespmem:$0x1FD80] =	vst v63  }
0x26: {  	_ =	swait.ge [sflag:s15], $0x4000  }
0x27: {  	[sflag:s15] =	ssyncset.done $0x0  }
0x28: {  	[sflag:s15] =	ssyncadd.s32 $0xFFFFC000  }
0x29: {  	[spmem:s5] =	stream.linear.scatter [tilespmem:s3], [sflag:$0x4], $0x4000, $0x38;
	[tilespmem:$0x1FD80] =	vst v63  }
0x2a: {  	_ =	swait.ge [sflag:s15], $0x4000  }
0x2b: {  	[sflag:s15] =	ssyncset.done $0x0  }
0x2c: {  	[sflag:s15] =	ssyncadd.s32 $0xFFFFC000  }
0x2d: {  	[spmem:s6] =	stream.linear.scatter [tilespmem:s3], [sflag:$0x4], $0x4000, $0x38;
	[tilespmem:$0x1FD80] =	vst v63  }
0x2e: {  	_ =	swait.ge [sflag:s15], $0x4000  }
0x2f: {  	[sflag:s15] =	ssyncset.done $0x0  }
0x30: {  	[sflag:s15] =	ssyncadd.s32 $0xFFFFC000  }
0x31: {  	[spmem:s7] =	stream.linear.scatter [tilespmem:s3], [sflag:$0x4], $0x4000, $0x38;
	[tilespmem:$0x1FD80] =	vst v63  }
0x32: {  	_ =	swait.ge [sflag:s15], $0x4000  }
0x33: {  	[sflag:s15] =	ssyncset.done $0x0  }
0x34: {  	[sflag:s15] =	ssyncadd.s32 $0xFFFFC000  }
0x35: {  	[spmem:s9] =	stream.linear.scatter [tilespmem:s3], [sflag:$0x4], $0x3C00, $0x38;
	[tilespmem:$0x1FD80] =	vst v63  }
0x36: {  	_ =	swait.ge [sflag:s15], $0x3C00  }
0x37: {  	[sflag:s15] =	ssyncset.done $0x0  }
0x38: {  	[sflag:s15] =	ssyncadd.s32 $0xFFFFC400  }
0x39: {  	[tilespmem:s16], [sflag:$0x4] =	stream.linear.gather [hbm4b:s10+s3], $0x80, $0x38;
	[tilespmem:$0x1FD80] =	vst v63  }
0x3a: {  	_ =	swait.ge [sflag:s15], $0x80  }
0x3b: {  	[sflag:s15] =	ssyncset.done $0x0  }
0x3c: {  	[sflag:s15] =	ssyncadd.s32 $0xFFFFFF80  }
0x3d: {  	[tilespmem:s17], [sflag:$0x4] =	stream.linear.gather [hbm4b:s10+s3], $0x80, $0x38;
	[tilespmem:$0x1FD80] =	vst v63  }
0x3e: {  	_ =	swait.ge [sflag:s15], $0x80  }
0x3f: {  	[sflag:s15] =	ssyncset.done $0x0  }
0x40: {  	[sflag:s15] =	ssyncadd.s32 $0xFFFFFF80  }
0x41: {  	[tilespmem:s18], [sflag:$0x4] =	stream.linear.gather [hbm4b:s10+s3], $0x80, $0x38;
	[tilespmem:$0x1FD80] =	vst v63  }
0x42: {  	_ =	swait.ge [sflag:s15], $0x80  }
0x43: {  	[sflag:s15] =	ssyncset.done $0x0  }
0x44: {  	[sflag:s15] =	ssyncadd.s32 $0xFFFFFF80  }
0x45: {  	[tilespmem:s3], [sflag:$0x1] =	stream.linear.gather [hbm4b:s8+s3], $0x4000, $0x38;
	[tilespmem:$0x1FD80] =	vst v63  }
0x46: {  	s28 =	sadd.s32 $0xFFFDA800, s8  }
0x47: {  	[tilespmem:s19], [sflag:$0x2] =	stream.linear.gather [hbm4b:s11+s3], $0x4000, $0x38;
	[tilespmem:$0x1FD80] =	vst v63  }
0x48: {  	s29 =	sadd.s32 $0x26800, s28;
	[bflag:$0x0] =	sbarrier.arrive $0xFFFF  }
0x49: {  	[tilespmem:s20], [sflag:$0x3] =	stream.linear.gather [hbm4b:s29+s3], $0x4000, $0x38;
	[tilespmem:$0x1FD80] =	vst v63  }
0x4a: {  	_ =	swait.ge [sflag:s21], $0x4000  }
0x4b: {  	[sflag:s21] =	ssyncset.done $0x0  }
0x4c: {  	[sflag:s21] =	ssyncadd.s32 $0xFFFFC000  }
0x4d: {  	[spmem:s2] =	stream.indirect.scatter.add.f32 [tilespmem:s3], [sflag:$0x4], $0x80, s16, s22, $0xb8;
	[tilespmem:$0x1FD80] =	vst v63  }
0x4e: {  	_ =	swait.ge [sflag:s15], $0x4000  }
0x4f: {  	[sflag:s15] =	ssyncset.done $0x0  }
0x50: {  	s29 =	sadd.s32 $0x27000, s28;
	[sflag:s15] =	ssyncadd.s32 $0xFFFFC000  }
0x51: {  	[tilespmem:s3], [sflag:$0x1] =	stream.linear.gather [hbm4b:s29+s3], $0x4000, $0x38;
	[tilespmem:$0x1FD80] =	vst v63  }
0x52: {  	_ =	swait.ge [sflag:s23], $0x4000  }
0x53: {  	[sflag:s23] =	ssyncset.done $0x0  }
0x54: {  	[sflag:s23] =	ssyncadd.s32 $0xFFFFC000  }
0x55: {  	[spmem:s2] =	stream.indirect.scatter.add.f32 [tilespmem:s19], [sflag:$0x4], $0x80, s17, s22, $0xb8;
	[tilespmem:$0x1FD80] =	vst v63  }
0x56: {  	_ =	swait.ge [sflag:s15], $0x4000  }
0x57: {  	[sflag:s15] =	ssyncset.done $0x0  }
0x58: {  	s28 =	sadd.s32 $0x27800, s28;
	[sflag:s15] =	ssyncadd.s32 $0xFFFFC000  }
0x59: {  	[tilespmem:s19], [sflag:$0x2] =	stream.linear.gather [hbm4b:s28+s3], $0x4000, $0x38;
	[tilespmem:$0x1FD80] =	vst v63  }
0x5a: {  	_ =	swait.ge [sflag:s25], $0x4000  }
0x5b: {  	[sflag:s25] =	ssyncset.done $0x0  }
0x5c: {  	[sflag:s25] =	ssyncadd.s32 $0xFFFFC000  }
0x5d: {  	[spmem:s2] =	stream.indirect.scatter.add.f32 [tilespmem:s20], [sflag:$0x4], $0x80, s18, s22, $0xb8;
	[tilespmem:$0x1FD80] =	vst v63  }
0x5e: {  	_ =	swait.ge [sflag:s15], $0x4000  }
0x5f: {  	s29 =	simm.s32 $0xFFFDD800;
	s28 =	sadd.s32 $0xFFFDC000, s8;
	[sflag:s15] =	ssyncset.done $0x0  }
.LBB2_4:
0x60: {  	s30 =	sadd.s32 $0x26800, s28  }
0x61: {  	[sflag:s15] =	ssyncadd.s32 $0xFFFFC000;
	s31 =	smov.u32 s29;
	s0 =	sadd.s32 $0x1800, s29  }
0x62: {  	[tilespmem:s20], [sflag:$0x3] =	stream.linear.gather [hbm4b:s30+s3], $0x4000, $0x38;
	[tilespmem:$0x1FD80] =	vst v63  }
0x63: {  	p1 =	sne.s32 s29, $0xFFFFE800;
	_ =	swait.ge [sflag:s21], $0x4000  }
0x64: {  	[sflag:s21] =	ssyncset.done $0x0  }
0x65: {  	[sflag:s21] =	ssyncadd.s32 $0xFFFFC000  }
0x66: {  	[spmem:s2] =	stream.indirect.scatter.add.f32 [tilespmem:s3], [sflag:$0x4], $0x80, s16, s22, $0xb8;
	[tilespmem:$0x1FD80] =	vst v63  }
0x67: {  	_ =	swait.ge [sflag:s15], $0x4000  }
0x68: {  	[sflag:s15] =	ssyncset.done $0x0  }
0x69: {  	s29 =	sadd.s32 $0x27000, s28;
	[sflag:s15] =	ssyncadd.s32 $0xFFFFC000  }
0x6a: {  	[tilespmem:s3], [sflag:$0x1] =	stream.linear.gather [hbm4b:s29+s3], $0x4000, $0x38;
	[tilespmem:$0x1FD80] =	vst v63  }
0x6b: {  	_ =	swait.ge [sflag:s23], $0x4000  }
0x6c: {  	[sflag:s23] =	ssyncset.done $0x0  }
0x6d: {  	[sflag:s23] =	ssyncadd.s32 $0xFFFFC000  }
0x6e: {  	[spmem:s2] =	stream.indirect.scatter.add.f32 [tilespmem:s19], [sflag:$0x4], $0x80, s17, s22, $0xb8;
	[tilespmem:$0x1FD80] =	vst v63  }
0x6f: {  	_ =	swait.ge [sflag:s15], $0x4000  }
0x70: {  	[sflag:s15] =	ssyncset.done $0x0  }
0x71: {  	s28 =	sadd.s32 $0x27800, s28;
	[sflag:s15] =	ssyncadd.s32 $0xFFFFC000  }
0x72: {  	[tilespmem:s19], [sflag:$0x2] =	stream.linear.gather [hbm4b:s28+s3], $0x4000, $0x38;
	[tilespmem:$0x1FD80] =	vst v63  }
0x73: {  	_ =	swait.ge [sflag:s25], $0x4000  }
.Ltmp1:
0x74: {  	[sflag:s25] =	ssyncset.done $0x0;
	(pc) =	sbr.rel @p1 .LBB2_4-.Ltmp1, $4  }
0x75: {  	[sflag:s25] =	ssyncadd.s32 $0xFFFFC000  }
0x76: {  	[spmem:s2] =	stream.indirect.scatter.add.f32 [tilespmem:s20], [sflag:$0x4], $0x80, s18, s22, $0xb8;
	[tilespmem:$0x1FD80] =	vst v63  }
0x77: {  	_ =	swait.ge [sflag:s15], $0x4000  }
0x78: {  	s29 =	smov.u32 s0;
	s28 =	sadd.s32 s31, s8;
	[sflag:s15] =	ssyncset.done $0x0  }
0x79: {  	s0 =	sadd.s32 $0x26800, s28;
	[sflag:s15] =	ssyncadd.s32 $0xFFFFC000  }
0x7a: {  	[tilespmem:s20], [sflag:$0x3] =	stream.linear.gather [hbm4b:s0+s3], $0x4000, $0x38;
	[tilespmem:$0x1FD80] =	vst v63  }
0x7b: {  	_ =	swait.ge [sflag:s21], $0x4000  }
0x7c: {  	[sflag:s21] =	ssyncset.done $0x0  }
0x7d: {  	[sflag:s21] =	ssyncadd.s32 $0xFFFFC000  }
0x7e: {  	[spmem:s2] =	stream.indirect.scatter.add.f32 [tilespmem:s3], [sflag:$0x4], $0x80, s16, s22, $0xb8;
	[tilespmem:$0x1FD80] =	vst v63  }
0x7f: {  	_ =	swait.ge [sflag:s15], $0x4000  }
0x80: {  	[sflag:s15] =	ssyncset.done $0x0  }
0x81: {  	s31 =	sadd.s32 $0x27000, s28;
	[sflag:s15] =	ssyncadd.s32 $0xFFFFC000  }
0x82: {  	[tilespmem:s3], [sflag:$0x1] =	stream.linear.gather [hbm4b:s31+s3], $0x4000, $0x38;
	[tilespmem:$0x1FD80] =	vst v63  }
0x83: {  	_ =	swait.ge [sflag:s23], $0x4000  }
0x84: {  	[sflag:s23] =	ssyncset.done $0x0  }
0x85: {  	[sflag:s23] =	ssyncadd.s32 $0xFFFFC000  }
0x86: {  	[spmem:s2] =	stream.indirect.scatter.add.f32 [tilespmem:s19], [sflag:$0x4], $0x80, s17, s22, $0xb8;
	[tilespmem:$0x1FD80] =	vst v63  }
0x87: {  	_ =	swait.ge [sflag:s15], $0x4000  }
0x88: {  	[sflag:s15] =	ssyncset.done $0x0  }
0x89: {  	s29 =	sadd.s32 $0x27800, s28;
	[sflag:s15] =	ssyncadd.s32 $0xFFFFC000  }
0x8a: {  	[tilespmem:s19], [sflag:$0x2] =	stream.linear.gather [hbm4b:s29+s3], $0x4000, $0x38;
	[tilespmem:$0x1FD80] =	vst v63  }
0x8b: {  	_ =	swait.ge [sflag:s25], $0x4000  }
0x8c: {  	[sflag:s25] =	ssyncset.done $0x0  }
0x8d: {  	[sflag:s25] =	ssyncadd.s32 $0xFFFFC000  }
0x8e: {  	[spmem:s2] =	stream.indirect.scatter.add.f32 [tilespmem:s20], [sflag:$0x4], $0x80, s18, s22, $0xb8;
	[tilespmem:$0x1FD80] =	vst v63  }
0x8f: {  	_ =	swait.ge [sflag:s15], $0x4000  }
0x90: {  	[sflag:s15] =	ssyncset.done $0x0  }
0x91: {  	[sflag:s15] =	ssyncadd.s32 $0xFFFFC000  }
0x92: {  	[tilespmem:s20], [sflag:$0x3] =	stream.linear.gather [hbm4b:s13+s3], $0x4000, $0x38;
	[tilespmem:$0x1FD80] =	vst v63  }
0x93: {  	_ =	swait.ge [sflag:s21], $0x4000  }
0x94: {  	[sflag:s21] =	ssyncset.done $0x0  }
0x95: {  	[sflag:s21] =	ssyncadd.s32 $0xFFFFC000  }
0x96: {  	[spmem:s2] =	stream.indirect.scatter.add.f32 [tilespmem:s3], [sflag:$0x4], $0x80, s16, s22, $0xb8;
	[tilespmem:$0x1FD80] =	vst v63  }
0x97: {  	_ =	swait.ge [sflag:s15], $0x4000  }
0x98: {  	[sflag:s15] =	ssyncset.done $0x0  }
0x99: {  	s0 =	simm.s32 @!p0 $0x0;
	[sflag:s15] =	ssyncadd.s32 $0xFFFFC000  }
0x9a: {  	[tilespmem:s0], [sflag:$0x1] =	stream.linear.gather @!p0 [hbm4b:s14+s0], $0x4000, $0x38;
	[tilespmem:$0x1FD80] =	vst v63  }
0x9b: {  	_ =	swait.ge [sflag:s23], $0x4000  }
0x9c: {  	[sflag:s23] =	ssyncset.done $0x0  }
0x9d: {  	[sflag:s23] =	ssyncadd.s32 $0xFFFFC000  }
0x9e: {  	[spmem:s2] =	stream.indirect.scatter.add.f32 [tilespmem:s19], [sflag:$0x4], $0x80, s17, s22, $0xb8;
	[tilespmem:$0x1FD80] =	vst v63  }
0x9f: {  	_ =	swait.ge [sflag:s15], $0x4000  }
0xa0: {  	[sflag:s15] =	ssyncset.done $0x0  }
0xa1: {  	[sflag:s15] =	ssyncadd.s32 $0xFFFFC000  }
0xa2: {  	_ =	swait.ge [sflag:s25], $0x4000  }
0xa3: {  	[sflag:s25] =	ssyncset.done $0x0  }
0xa4: {  	[sflag:s25] =	ssyncadd.s32 $0xFFFFC000  }
0xa5: {  	[spmem:s2] =	stream.indirect.scatter.add.f32 [tilespmem:s20], [sflag:$0x4], $0x80, s18, s22, $0xb8;
	[tilespmem:$0x1FD80] =	vst v63  }
0xa6: {  	_ =	swait.ge [sflag:s15], $0x4000  }
0xa7: {  	[sflag:s15] =	ssyncset.done $0x0  }
0xa8: {  	s28 =	simm.s32 @!p0 $0x1;
	[sflag:s15] =	ssyncadd.s32 $0xFFFFC000  }
0xa9: {  	_ =	swait.ge @!p0 [sflag:s28], $0x4000  }
0xaa: {  	[sflag:s28] =	ssyncset.done @!p0 $0x0  }
0xab: {  	s29 =	simm.s32 @!p0 $0xC000;
	[sflag:s28] =	ssyncadd.s32 @!p0 $0xFFFFC000;
	s28 =	simm.s32 @!p0 $0x80  }
0xac: {  	[spmem:s2] =	stream.indirect.scatter.add.f32 @!p0 [tilespmem:s0], [sflag:$0x4], $0x80, s29, s28, $0xb8;
	[tilespmem:$0x1FD80] =	vst v63  }
0xad: {  	s0 =	simm.s32 @!p0 $0x4  }
0xae: {  	_ =	swait.ge @!p0 [sflag:s0], $0x4000  }
0xaf: {  	s30 =	sshll.u32 s1, $0x6;
	s26 =	sadd.s32 $0x1, s26;
	[sflag:s0] =	ssyncset.done @!p0 $0x0  }
0xb0: {  	p1 =	sne.s32 s26, s12;
	s31 =	sshrl.u32 s4, $0x3;
	[sflag:s0] =	ssyncadd.s32 @!p0 $0xFFFFC000  }
.Ltmp2:
0xb1: {  	s0 =	sor.u32 $0x1C04, s30;
	[bflag:$0x0] =	sbarrier.arrive $0xFFFF;
	(pc) =	sbr.rel @p1 .LBB2_1-.Ltmp2, $4  }
0xb2: {  	[hbm:s24], [sflag:s0] =	dma.local [spmem:s31], $0x2780  }
0xb3: {  	_ =	swait.ge [sflag:s15], $0x2780  }
0xb4: {  	[sflag:s15] =	ssyncset.done $0x0  }
0xb5: {  	[sflag:s15] =	ssyncadd.s32 $0xFFFFD880  }
0xb6: {  	_ =	sfence.sel $0x180000  }
0xb7: {  	[bflag:$0x0] =	sbarrier.arrive $0xFFFF  }
0xb8: {  	_ =	strace $0x90000047  }
0xb9: {  	[bflag:$0x2] =	sbarrier.arrive $0xFFFF  }
0xba: {  	p0 =	sne.s32 s1, $0x0;
	s0 =	rddreg [dreg:$0x4]  }
0xbb: {  	s0 =	sadd.s32 @!p0 $0x100000, s0  }
0xbc: {  	[sflag:s0] =	ssyncadd.tile.s32 @!p0 $0x1;
	_ =	shalt  }
.Lfunc_end2:
_tile_overlayer_lowered:
.L_overlay_start_2:
0xbd: {  	(tag) =	ssettag $0x2  }
0xbe: {  	s0 =	rddreg [dreg:$0x0];
	s2 =	stileid.u32  }
0xbf: {  	s1 =	rddreg [dreg:$0x1];
	p0 =	sne.s32 s2, $0x0  }
0xc0: {  	s3 =	rddreg [dreg:$0x2];
	[bflag:$0x3] =	sbarrier.arrive $0xFFFF;
	s2 =	simm.s32 @!p0 $0x1C04  }
0xc1: {  	[timem:s3], [sflag:s2] =	dma.local @!p0 [hbm:s0], s1  }
0xc2: {  	s0 =	simm.s32 @!p0 $0x4  }
0xc3: {  	_ =	swait.ge @!p0 [sflag:s0], s1  }
0xc4: {  	s1 =	ssub.s32 @!p0 $0x0, s1;
	[sflag:s0] =	ssyncset.done @!p0 $0x0  }
0xc5: {  	[sflag:s0] =	ssyncadd.s32 @!p0 s1  }
0xc6: {  	[bflag:$0x3] =	sbarrier.arrive $0xFFFF  }
0xc7: {  	_ =	shalt  }

</sc_bundles>
